<compile_context>
chip_gen: v7x
topology: tpu7x:2x2x1
jax: 0.10.2.dev20260603
libtpu: 0.0.44.dev20260713+nightly
codegen_flags: <defaults>
</compile_context>

<pallas_src>
import functools

import jax
import jax.numpy as jnp
from jax import lax
from jax.experimental import pallas as pl
from jax.experimental.pallas import tpu as pltpu
from jax.experimental.pallas import tpu_sc as plsc

_HIDDEN = 768
_E = 8
_NT = 32768
_BT = 4096
_GRID = _NT // _BT

_NSUB = 16
_CHUNK = (_NT * 2) // _NSUB
_UNROLL = 4
_NGRP = _CHUNK // (16 * _UNROLL)



def _dense_body(x_ref, w_ref, isc_ref, wsc_ref, avg_ref, ent_ref):
    i = pl.program_id(0)
    x = x_ref[...]
    w = w_ref[...]

    lt = jax.lax.dot_general(
        w, x, (((1,), (1,)), ((), ())),
        preferred_element_type=jnp.float32)

    m = jnp.max(lt, axis=0, keepdims=True)
    ex = jnp.exp(lt - m)
    z = jnp.sum(ex, axis=0, keepdims=True)
    p = ex / z

    m1 = p[0:1, :]
    e1 = jnp.zeros((1, _BT), jnp.int32)
    for e in range(1, _E):
        gt = p[e:e + 1, :] > m1
        m1 = jnp.where(gt, p[e:e + 1, :], m1)
        e1 = jnp.where(gt, e, e1)
    m2 = jnp.full((1, _BT), -1.0, jnp.float32)
    e2 = jnp.zeros((1, _BT), jnp.int32)
    for e in range(_E):
        cand = jnp.where(e1 == e, -1.0, p[e:e + 1, :])
        gt = cand > m2
        m2 = jnp.where(gt, cand, m2)
        e2 = jnp.where(gt, e, e2)

    s = m1 + m2
    isc_ref[...] = jnp.concatenate([e1, e2], axis=0)
    wsc_ref[...] = jnp.concatenate([m1 / s, m2 / s], axis=0)

    p_part = jnp.sum(p, axis=1, keepdims=True)
    ent_part = -jnp.sum(p * jnp.log(p + 1e-10)).reshape(1, 1)

    @pl.when(i == 0)
    def _init():
        avg_ref[...] = p_part
        ent_ref[...] = ent_part

    @pl.when(i > 0)
    def _acc():
        avg_ref[...] += p_part
        ent_ref[...] += ent_part

    @pl.when(i == _GRID - 1)
    def _final():
        avg_ref[...] = avg_ref[...] / _NT
        ent_ref[...] = ent_ref[...] / _NT


def _dense(x, w):
    out_shapes = (
        jax.ShapeDtypeStruct((2, _NT), jnp.int32),
        jax.ShapeDtypeStruct((2, _NT), jnp.float32),
        jax.ShapeDtypeStruct((_E, 1), jnp.float32),
        jax.ShapeDtypeStruct((1, 1), jnp.float32),
    )
    out_specs = (
        pl.BlockSpec((2, _BT), lambda i: (0, i)),
        pl.BlockSpec((2, _BT), lambda i: (0, i)),
        pl.BlockSpec((_E, 1), lambda i: (0, 0)),
        pl.BlockSpec((1, 1), lambda i: (0, 0)),
    )
    in_specs = [
        pl.BlockSpec((_BT, _HIDDEN), lambda i: (i, 0)),
        pl.BlockSpec((_E, _HIDDEN), lambda i: (0, 0)),
    ]
    return pl.pallas_call(
        _dense_body,
        grid=(_GRID,),
        in_specs=in_specs,
        out_specs=out_specs,
        out_shape=out_shapes,
    )(x, w)



def _count_body(idx_hbm, cnt_hbm, gini_hbm, idx_vm, loc_vm, shared_vm, acc_vm):
    wid = lax.axis_index("s")
    row = wid // (_NSUB // 2)
    off = (wid % (_NSUB // 2)) * _CHUNK

    pltpu.sync_copy(idx_hbm.at[row, pl.ds(off, _CHUNK)], idx_vm)

    lane = lax.iota(jnp.int32, 16)
    zero16 = jnp.zeros((16,), jnp.float32)

    def group(g, cnts):
        out = list(cnts)
        for u in range(_UNROLL):
            v = idx_vm[pl.ds((g * _UNROLL + u) * 16, 16)]
            for e in range(_E):
                out[e] = out[e] + jnp.where(v == e, 1.0, 0.0)
        return tuple(out)

    cnts = lax.fori_loop(0, _NGRP, group, tuple(zero16 for _ in range(_E)))

    local = zero16
    for e in range(_E):
        tot = jnp.sum(cnts[e])
        local = jnp.where(lane == e, tot, local)
    loc_vm[...] = local

    pltpu.sync_copy(loc_vm, shared_vm.at[pl.ds(wid * 16, 16)])
    plsc.subcore_barrier()

    @pl.when(wid == 0)
    def _finish():
        pltpu.sync_copy(shared_vm, acc_vm)
        counts = acc_vm[pl.ds(0, 16)]
        for r in range(1, _NSUB):
            counts = counts + acc_vm[pl.ds(r * 16, 16)]
        total = jnp.sum(counts)

        keys = jnp.where(lane < _E, counts, 1e30)
        skeys, _ = plsc.sort_key_val(keys, lane)
        lane_f = lane.astype(jnp.float32)
        coef = jnp.where(lane < _E, 2.0 * (lane_f + 1.0) - _E - 1.0, 0.0)
        num_v = jnp.full((16,), jnp.sum(coef * skeys), jnp.float32)
        den_v = jnp.full((16,), _E * total + 1e-10, jnp.float32)
        gini_v = num_v / den_v

        loc_vm[...] = counts
        pltpu.sync_copy(loc_vm, cnt_hbm)
        loc_vm[...] = gini_v
        pltpu.sync_copy(loc_vm, gini_hbm)


@functools.partial(
    pl.kernel,
    mesh=plsc.VectorSubcoreMesh(
        core_axis_name="c", subcore_axis_name="s", num_cores=1),
    compiler_params=pltpu.CompilerParams(needs_layout_passes=False),
    out_type=(
        jax.ShapeDtypeStruct((16,), jnp.float32),
        jax.ShapeDtypeStruct((16,), jnp.float32),
    ),
    scratch_types=[
        pltpu.VMEM((_CHUNK,), jnp.int32),
        pltpu.VMEM((16,), jnp.float32),
        pltpu.VMEM_SHARED((_NSUB * 16,), jnp.float32),
        pltpu.VMEM((_NSUB * 16,), jnp.float32),
    ],
)
def _count(idx_hbm, cnt_hbm, gini_hbm, idx_vm, loc_vm, shared_vm, acc_vm):
    _count_body(idx_hbm, cnt_hbm, gini_hbm, idx_vm, loc_vm, shared_vm, acc_vm)


@jax.jit
def _router(x, w):
    idx_sc, wts_sc, avg, ent = _dense(x, w)
    cnt, gini = _count(idx_sc)
    return (idx_sc.T, wts_sc.T, cnt[:_E], avg.reshape(_E),
            ent.reshape(()), gini[0].reshape(()))


def kernel(x, W):
    return _router(x, W)

# --- scband reference (transcript-rebuilt; emitter-appended) ---
"""Pipeline reference for scband-top-krouter-86406152061621 (READ-ONLY COPY).

The authoritative reference and input builder live on the scoring server;
editing this copy changes nothing except your own understanding.
"""

import jax, jax.numpy as jnp
import numpy as np

HIDDEN_DIM = 768
NUM_EXPERTS = 8
TOP_K = 2
TEMPERATURE = 1.0
NUM_TOKENS = 32768


def setup_inputs(seed: int = 0) -> dict:
    key = jax.random.key(seed)
    k1, k2 = jax.random.split(key)
    x = jax.random.normal(k1, (NUM_TOKENS, HIDDEN_DIM), dtype=jnp.float32)
    # gate weight, torch nn.Linear(hidden_dim, num_experts, bias=False) stores [num_experts, hidden_dim]
    W = jax.random.normal(k2, (NUM_EXPERTS, HIDDEN_DIM), dtype=jnp.float32) * 0.02
    return {"x": x, "W": W}


def reference(x, W):
    # gate: logits = x @ W.T
    logits = jnp.dot(x, W.T)
    logits = logits / TEMPERATURE
    probs = jax.nn.softmax(logits, axis=-1)
    top_k_probs, top_k_indices = jax.lax.top_k(probs, TOP_K)
    top_k_weights = top_k_probs / jnp.sum(top_k_probs, axis=-1, keepdims=True)

    # routing statistics (faithful to _compute_stats)
    expert_counts = jnp.bincount(
        top_k_indices.reshape(-1), length=NUM_EXPERTS
    ).astype(jnp.float32)
    avg_probs = jnp.mean(probs, axis=0)
    entropy = jnp.mean(-jnp.sum(probs * jnp.log(probs + 1e-10), axis=-1))
    sorted_counts = jnp.sort(expert_counts)
    n = NUM_EXPERTS
    index = jnp.arange(1, n + 1, dtype=jnp.float32)
    gini = jnp.sum((2.0 * index - n - 1.0) * sorted_counts) / (
        n * jnp.sum(sorted_counts) + 1e-10
    )
    return (top_k_indices, top_k_weights, expert_counts, avg_probs, entropy, gini)

if __name__ == "__main__":
    import jax
    _d = setup_inputs()
    print(jax.jit(kernel)(*tuple(_d.values())))

</pallas_src>

<mosaic_0001>
#map = affine_map<(d0, d1) -> (0, 0)>
#map1 = affine_map<(d0, d1) -> (0)>
module attributes {stable_mosaic.version = 14 : i64} {
  func.func @_count(%arg0: i32, %arg1: i32, %arg2: memref<2x32768xi32, #tpu.memory_space<hbm>>, %arg3: memref<16xf32, #tpu.memory_space<hbm>>, %arg4: memref<16xf32, #tpu.memory_space<hbm>>, %arg5: memref<4096xi32, #tpu.memory_space<vmem>>, %arg6: memref<16xf32, #tpu.memory_space<vmem>>, %arg7: memref<256xf32, #tpu.memory_space<vmem_shared>>, %arg8: memref<256xf32, #tpu.memory_space<vmem>>) attributes {dimension_semantics = [#tpu.dimension_semantics<core_parallel>, #tpu.dimension_semantics<subcore_parallel>], iteration_bounds = array<i64: 1, 16>, scalar_prefetch = 0 : i64, scratch_operands = 4 : i64, tpu.core_type = #tpu.core_type<sc_vector_subcore>, window_params = [{transform_indices = #map}, {transform_indices = #map1}, {transform_indices = #map1}]} {
    %jit3A = arith.constant 8 : i32
    %div3A = arith.divsi %arg1, %jit3A : i32
    %sign3A = arith.constant 0 : i32
    %sign3A_0 = arith.cmpi sgt, %arg1, %sign3A : i32
    %sign3A_1 = arith.extui %sign3A_0 : i1 to i32
    %sign3A_2 = arith.constant 0 : i32
    %sign3A_3 = arith.cmpi slt, %arg1, %sign3A_2 : i32
    %sign3A_4 = arith.extui %sign3A_3 : i1 to i32
    %sign3A_5 = arith.subi %sign3A_1, %sign3A_4 : i32
    %sign3A_6 = arith.constant 0 : i32
    %sign3A_7 = arith.cmpi sgt, %jit3A, %sign3A_6 : i32
    %sign3A_8 = arith.extui %sign3A_7 : i1 to i32
    %sign3A_9 = arith.constant 0 : i32
    %sign3A_10 = arith.cmpi slt, %jit3A, %sign3A_9 : i32
    %sign3A_11 = arith.extui %sign3A_10 : i1 to i32
    %sign3A_12 = arith.subi %sign3A_8, %sign3A_11 : i32
    %ne3A = arith.cmpi ne, %sign3A_5, %sign3A_12 : i32
    %rem3A = arith.remsi %arg1, %jit3A : i32
    %ne3A_13 = arith.constant 0 : i32
    %ne3A_14 = arith.cmpi ne, %rem3A, %ne3A_13 : i32
    %and3A = arith.andi %ne3A, %ne3A_14 : i1
    %sub3A = arith.constant 1 : i32
    %sub3A_15 = arith.subi %div3A, %sub3A : i32
    %select_n3A = arith.select %and3A, %sub3A_15, %div3A : i32
    %jit3A_16 = arith.constant 8 : i32
    %eq3A = arith.constant 0 : i32
    %eq3A_17 = arith.cmpi eq, %jit3A_16, %eq3A : i32
    %jit3A_18 = arith.constant 1 : i32
    %select_n3A_19 = arith.select %eq3A_17, %jit3A_18, %jit3A_16 : i32
    %rem3A_20 = arith.remsi %arg1, %select_n3A_19 : i32
    %ne3A_21 = arith.constant 0 : i32
    %ne3A_22 = arith.cmpi ne, %rem3A_20, %ne3A_21 : i32
    %lt3A = arith.constant 0 : i32
    %lt3A_23 = arith.cmpi slt, %rem3A_20, %lt3A : i32
    %lt3A_24 = arith.constant 0 : i32
    %lt3A_25 = arith.cmpi slt, %select_n3A_19, %lt3A_24 : i32
    %ne3A_26 = arith.xori %lt3A_23, %lt3A_25 : i1
    %and3A_27 = arith.andi %ne3A_26, %ne3A_22 : i1
    %add3A = arith.addi %rem3A_20, %select_n3A_19 : i32
    %select_n3A_28 = arith.select %and3A_27, %add3A, %rem3A_20 : i32
    %mul3A = arith.constant 4096 : i32
    %mul3A_29 = arith.muli %select_n3A_28, %mul3A : i32
    "tpu.region"() ({
      %run_scoped3A = tpu.sem_alloc : memref<!tpu.dma_semaphore, #tpu.memory_space<semaphore_mem>>
      %dma_start3A = tpu.memref_slice %arg2[%select_n3A, %mul3A_29] : memref<2x32768xi32, #tpu.memory_space<hbm>> -> memref<1x4096xi32, #tpu.memory_space<hbm>>
      %dma_start3A_113 = tpu.memref_squeeze %dma_start3A : memref<1x4096xi32, #tpu.memory_space<hbm>> -> memref<4096xi32, #tpu.memory_space<hbm>>
      %dma_start3A_114 = tpu.memref_slice %arg2[%select_n3A, %mul3A_29] : memref<2x32768xi32, #tpu.memory_space<hbm>> -> memref<1x4096xi32, #tpu.memory_space<hbm>>
      %dma_start3A_115 = tpu.memref_squeeze %dma_start3A_114 : memref<1x4096xi32, #tpu.memory_space<hbm>> -> memref<4096xi32, #tpu.memory_space<hbm>>
      tpu.enqueue_dma source(%dma_start3A_115 : memref<4096xi32, #tpu.memory_space<hbm>>) target(%arg5 : memref<4096xi32, #tpu.memory_space<vmem>>) target_semaphore(%run_scoped3A : memref<!tpu.dma_semaphore, #tpu.memory_space<semaphore_mem>>)
      %dma_wait3A = tpu.memref_slice %arg2[%select_n3A, %mul3A_29] : memref<2x32768xi32, #tpu.memory_space<hbm>> -> memref<1x4096xi32, #tpu.memory_space<hbm>>
      %dma_wait3A_116 = tpu.memref_squeeze %dma_wait3A : memref<1x4096xi32, #tpu.memory_space<hbm>> -> memref<4096xi32, #tpu.memory_space<hbm>>
      %dma_wait3A_117 = tpu.memref_slice %arg2[%select_n3A, %mul3A_29] : memref<2x32768xi32, #tpu.memory_space<hbm>> -> memref<1x4096xi32, #tpu.memory_space<hbm>>
      %dma_wait3A_118 = tpu.memref_squeeze %dma_wait3A_117 : memref<1x4096xi32, #tpu.memory_space<hbm>> -> memref<4096xi32, #tpu.memory_space<hbm>>
      tpu.wait_dma2 semaphore(%run_scoped3A : memref<!tpu.dma_semaphore, #tpu.memory_space<semaphore_mem>>) src(%dma_wait3A_118 : memref<4096xi32, #tpu.memory_space<hbm>>) dst(%arg5 : memref<4096xi32, #tpu.memory_space<vmem>>)
      tpu.yield
    }) : () -> ()
    %iota3A = tpu.iota {dimensions = array<i32: 0>} : vector<16xi32>
    %broadcast_in_dim3A = arith.constant 0.000000e+00 : f32
    %broadcast_in_dim3A_30 = vector.broadcast %broadcast_in_dim3A : f32 to vector<16xf32>
    %scan3A = arith.constant 0 : i32
    %scan3A_31 = arith.constant 64 : i32
    %scan3A_32 = arith.addi %scan3A, %scan3A_31 : i32
    %scan3A_33 = arith.constant 1 : i32
    %scan3A_34:8 = scf.for %scan3A_113 = %scan3A to %scan3A_32 step %scan3A_33 iter_args(%scan3A_114 = %broadcast_in_dim3A_30, %scan3A_115 = %broadcast_in_dim3A_30, %scan3A_116 = %broadcast_in_dim3A_30, %scan3A_117 = %broadcast_in_dim3A_30, %scan3A_118 = %broadcast_in_dim3A_30, %scan3A_119 = %broadcast_in_dim3A_30, %scan3A_120 = %broadcast_in_dim3A_30, %scan3A_121 = %broadcast_in_dim3A_30) -> (vector<16xf32>, vector<16xf32>, vector<16xf32>, vector<16xf32>, vector<16xf32>, vector<16xf32>, vector<16xf32>, vector<16xf32>)  : i32 {
      %mul3A_122 = arith.constant 4 : i32
      %mul3A_123 = arith.muli %scan3A_113, %mul3A_122 : i32
      %add3A_124 = arith.constant 0 : i32
      %add3A_125 = arith.addi %mul3A_123, %add3A_124 : i32
      %mul3A_126 = arith.constant 16 : i32
      %mul3A_127 = arith.muli %add3A_125, %mul3A_126 : i32
      %get3A = arith.index_cast %mul3A_127 : i32 to index
      %get3A_128 = tpu.vector_load %arg5[%get3A] {strides = array<i32>} : memref<4096xi32, #tpu.memory_space<vmem>>, vector<16xi32>,
      %eq3A_129 = arith.constant 0 : i32
      %eq3A_130 = vector.broadcast %eq3A_129 : i32 to vector<16xi32>
      %eq3A_131 = arith.cmpi eq, %get3A_128, %eq3A_130 : vector<16xi32>
      %jit3A_132 = arith.constant 1.000000e+00 : f32
      %jit3A_133 = arith.constant 0.000000e+00 : f32
      %broadcast_in_dim3A_134 = vector.broadcast %jit3A_132 : f32 to vector<16xf32>
      %broadcast_in_dim3A_135 = vector.broadcast %jit3A_133 : f32 to vector<16xf32>
      %select_n3A_136 = arith.select %eq3A_131, %broadcast_in_dim3A_134, %broadcast_in_dim3A_135 : vector<16xi1>, vector<16xf32>
      %add3A_137 = arith.addf %scan3A_114, %select_n3A_136 : vector<16xf32>
      %eq3A_138 = arith.constant 1 : i32
      %eq3A_139 = vector.broadcast %eq3A_138 : i32 to vector<16xi32>
      %eq3A_140 = arith.cmpi eq, %get3A_128, %eq3A_139 : vector<16xi32>
      %jit3A_141 = arith.constant 1.000000e+00 : f32
      %jit3A_142 = arith.constant 0.000000e+00 : f32
      %broadcast_in_dim3A_143 = vector.broadcast %jit3A_141 : f32 to vector<16xf32>
      %broadcast_in_dim3A_144 = vector.broadcast %jit3A_142 : f32 to vector<16xf32>
      %select_n3A_145 = arith.select %eq3A_140, %broadcast_in_dim3A_143, %broadcast_in_dim3A_144 : vector<16xi1>, vector<16xf32>
      %add3A_146 = arith.addf %scan3A_115, %select_n3A_145 : vector<16xf32>
      %eq3A_147 = arith.constant 2 : i32
      %eq3A_148 = vector.broadcast %eq3A_147 : i32 to vector<16xi32>
      %eq3A_149 = arith.cmpi eq, %get3A_128, %eq3A_148 : vector<16xi32>
      %jit3A_150 = arith.constant 1.000000e+00 : f32
      %jit3A_151 = arith.constant 0.000000e+00 : f32
      %broadcast_in_dim3A_152 = vector.broadcast %jit3A_150 : f32 to vector<16xf32>
      %broadcast_in_dim3A_153 = vector.broadcast %jit3A_151 : f32 to vector<16xf32>
      %select_n3A_154 = arith.select %eq3A_149, %broadcast_in_dim3A_152, %broadcast_in_dim3A_153 : vector<16xi1>, vector<16xf32>
      %add3A_155 = arith.addf %scan3A_116, %select_n3A_154 : vector<16xf32>
      %eq3A_156 = arith.constant 3 : i32
      %eq3A_157 = vector.broadcast %eq3A_156 : i32 to vector<16xi32>
      %eq3A_158 = arith.cmpi eq, %get3A_128, %eq3A_157 : vector<16xi32>
      %jit3A_159 = arith.constant 1.000000e+00 : f32
      %jit3A_160 = arith.constant 0.000000e+00 : f32
      %broadcast_in_dim3A_161 = vector.broadcast %jit3A_159 : f32 to vector<16xf32>
      %broadcast_in_dim3A_162 = vector.broadcast %jit3A_160 : f32 to vector<16xf32>
      %select_n3A_163 = arith.select %eq3A_158, %broadcast_in_dim3A_161, %broadcast_in_dim3A_162 : vector<16xi1>, vector<16xf32>
      %add3A_164 = arith.addf %scan3A_117, %select_n3A_163 : vector<16xf32>
      %eq3A_165 = arith.constant 4 : i32
      %eq3A_166 = vector.broadcast %eq3A_165 : i32 to vector<16xi32>
      %eq3A_167 = arith.cmpi eq, %get3A_128, %eq3A_166 : vector<16xi32>
      %jit3A_168 = arith.constant 1.000000e+00 : f32
      %jit3A_169 = arith.constant 0.000000e+00 : f32
      %broadcast_in_dim3A_170 = vector.broadcast %jit3A_168 : f32 to vector<16xf32>
      %broadcast_in_dim3A_171 = vector.broadcast %jit3A_169 : f32 to vector<16xf32>
      %select_n3A_172 = arith.select %eq3A_167, %broadcast_in_dim3A_170, %broadcast_in_dim3A_171 : vector<16xi1>, vector<16xf32>
      %add3A_173 = arith.addf %scan3A_118, %select_n3A_172 : vector<16xf32>
      %eq3A_174 = arith.constant 5 : i32
      %eq3A_175 = vector.broadcast %eq3A_174 : i32 to vector<16xi32>
      %eq3A_176 = arith.cmpi eq, %get3A_128, %eq3A_175 : vector<16xi32>
      %jit3A_177 = arith.constant 1.000000e+00 : f32
      %jit3A_178 = arith.constant 0.000000e+00 : f32
      %broadcast_in_dim3A_179 = vector.broadcast %jit3A_177 : f32 to vector<16xf32>
      %broadcast_in_dim3A_180 = vector.broadcast %jit3A_178 : f32 to vector<16xf32>
      %select_n3A_181 = arith.select %eq3A_176, %broadcast_in_dim3A_179, %broadcast_in_dim3A_180 : vector<16xi1>, vector<16xf32>
      %add3A_182 = arith.addf %scan3A_119, %select_n3A_181 : vector<16xf32>
      %eq3A_183 = arith.constant 6 : i32
      %eq3A_184 = vector.broadcast %eq3A_183 : i32 to vector<16xi32>
      %eq3A_185 = arith.cmpi eq, %get3A_128, %eq3A_184 : vector<16xi32>
      %jit3A_186 = arith.constant 1.000000e+00 : f32
      %jit3A_187 = arith.constant 0.000000e+00 : f32
      %broadcast_in_dim3A_188 = vector.broadcast %jit3A_186 : f32 to vector<16xf32>
      %broadcast_in_dim3A_189 = vector.broadcast %jit3A_187 : f32 to vector<16xf32>
      %select_n3A_190 = arith.select %eq3A_185, %broadcast_in_dim3A_188, %broadcast_in_dim3A_189 : vector<16xi1>, vector<16xf32>
      %add3A_191 = arith.addf %scan3A_120, %select_n3A_190 : vector<16xf32>
      %eq3A_192 = arith.constant 7 : i32
      %eq3A_193 = vector.broadcast %eq3A_192 : i32 to vector<16xi32>
      %eq3A_194 = arith.cmpi eq, %get3A_128, %eq3A_193 : vector<16xi32>
      %jit3A_195 = arith.constant 1.000000e+00 : f32
      %jit3A_196 = arith.constant 0.000000e+00 : f32
      %broadcast_in_dim3A_197 = vector.broadcast %jit3A_195 : f32 to vector<16xf32>
      %broadcast_in_dim3A_198 = vector.broadcast %jit3A_196 : f32 to vector<16xf32>
      %select_n3A_199 = arith.select %eq3A_194, %broadcast_in_dim3A_197, %broadcast_in_dim3A_198 : vector<16xi1>, vector<16xf32>
      %add3A_200 = arith.addf %scan3A_121, %select_n3A_199 : vector<16xf32>
      %mul3A_201 = arith.constant 4 : i32
      %mul3A_202 = arith.muli %scan3A_113, %mul3A_201 : i32
      %add3A_203 = arith.constant 1 : i32
      %add3A_204 = arith.addi %mul3A_202, %add3A_203 : i32
      %mul3A_205 = arith.constant 16 : i32
      %mul3A_206 = arith.muli %add3A_204, %mul3A_205 : i32
      %get3A_207 = arith.index_cast %mul3A_206 : i32 to index
      %get3A_208 = tpu.vector_load %arg5[%get3A_207] {strides = array<i32>} : memref<4096xi32, #tpu.memory_space<vmem>>, vector<16xi32>,
      %eq3A_209 = arith.constant 0 : i32
      %eq3A_210 = vector.broadcast %eq3A_209 : i32 to vector<16xi32>
      %eq3A_211 = arith.cmpi eq, %get3A_208, %eq3A_210 : vector<16xi32>
      %jit3A_212 = arith.constant 1.000000e+00 : f32
      %jit3A_213 = arith.constant 0.000000e+00 : f32
      %broadcast_in_dim3A_214 = vector.broadcast %jit3A_212 : f32 to vector<16xf32>
      %broadcast_in_dim3A_215 = vector.broadcast %jit3A_213 : f32 to vector<16xf32>
      %select_n3A_216 = arith.select %eq3A_211, %broadcast_in_dim3A_214, %broadcast_in_dim3A_215 : vector<16xi1>, vector<16xf32>
      %add3A_217 = arith.addf %add3A_137, %select_n3A_216 : vector<16xf32>
      %eq3A_218 = arith.constant 1 : i32
      %eq3A_219 = vector.broadcast %eq3A_218 : i32 to vector<16xi32>
      %eq3A_220 = arith.cmpi eq, %get3A_208, %eq3A_219 : vector<16xi32>
      %jit3A_221 = arith.constant 1.000000e+00 : f32
      %jit3A_222 = arith.constant 0.000000e+00 : f32
      %broadcast_in_dim3A_223 = vector.broadcast %jit3A_221 : f32 to vector<16xf32>
      %broadcast_in_dim3A_224 = vector.broadcast %jit3A_222 : f32 to vector<16xf32>
      %select_n3A_225 = arith.select %eq3A_220, %broadcast_in_dim3A_223, %broadcast_in_dim3A_224 : vector<16xi1>, vector<16xf32>
      %add3A_226 = arith.addf %add3A_146, %select_n3A_225 : vector<16xf32>
      %eq3A_227 = arith.constant 2 : i32
      %eq3A_228 = vector.broadcast %eq3A_227 : i32 to vector<16xi32>
      %eq3A_229 = arith.cmpi eq, %get3A_208, %eq3A_228 : vector<16xi32>
      %jit3A_230 = arith.constant 1.000000e+00 : f32
      %jit3A_231 = arith.constant 0.000000e+00 : f32
      %broadcast_in_dim3A_232 = vector.broadcast %jit3A_230 : f32 to vector<16xf32>
      %broadcast_in_dim3A_233 = vector.broadcast %jit3A_231 : f32 to vector<16xf32>
      %select_n3A_234 = arith.select %eq3A_229, %broadcast_in_dim3A_232, %broadcast_in_dim3A_233 : vector<16xi1>, vector<16xf32>
      %add3A_235 = arith.addf %add3A_155, %select_n3A_234 : vector<16xf32>
      %eq3A_236 = arith.constant 3 : i32
      %eq3A_237 = vector.broadcast %eq3A_236 : i32 to vector<16xi32>
      %eq3A_238 = arith.cmpi eq, %get3A_208, %eq3A_237 : vector<16xi32>
      %jit3A_239 = arith.constant 1.000000e+00 : f32
      %jit3A_240 = arith.constant 0.000000e+00 : f32
      %broadcast_in_dim3A_241 = vector.broadcast %jit3A_239 : f32 to vector<16xf32>
      %broadcast_in_dim3A_242 = vector.broadcast %jit3A_240 : f32 to vector<16xf32>
      %select_n3A_243 = arith.select %eq3A_238, %broadcast_in_dim3A_241, %broadcast_in_dim3A_242 : vector<16xi1>, vector<16xf32>
      %add3A_244 = arith.addf %add3A_164, %select_n3A_243 : vector<16xf32>
      %eq3A_245 = arith.constant 4 : i32
      %eq3A_246 = vector.broadcast %eq3A_245 : i32 to vector<16xi32>
      %eq3A_247 = arith.cmpi eq, %get3A_208, %eq3A_246 : vector<16xi32>
      %jit3A_248 = arith.constant 1.000000e+00 : f32
      %jit3A_249 = arith.constant 0.000000e+00 : f32
      %broadcast_in_dim3A_250 = vector.broadcast %jit3A_248 : f32 to vector<16xf32>
      %broadcast_in_dim3A_251 = vector.broadcast %jit3A_249 : f32 to vector<16xf32>
      %select_n3A_252 = arith.select %eq3A_247, %broadcast_in_dim3A_250, %broadcast_in_dim3A_251 : vector<16xi1>, vector<16xf32>
      %add3A_253 = arith.addf %add3A_173, %select_n3A_252 : vector<16xf32>
      %eq3A_254 = arith.constant 5 : i32
      %eq3A_255 = vector.broadcast %eq3A_254 : i32 to vector<16xi32>
      %eq3A_256 = arith.cmpi eq, %get3A_208, %eq3A_255 : vector<16xi32>
      %jit3A_257 = arith.constant 1.000000e+00 : f32
      %jit3A_258 = arith.constant 0.000000e+00 : f32
      %broadcast_in_dim3A_259 = vector.broadcast %jit3A_257 : f32 to vector<16xf32>
      %broadcast_in_dim3A_260 = vector.broadcast %jit3A_258 : f32 to vector<16xf32>
      %select_n3A_261 = arith.select %eq3A_256, %broadcast_in_dim3A_259, %broadcast_in_dim3A_260 : vector<16xi1>, vector<16xf32>
      %add3A_262 = arith.addf %add3A_182, %select_n3A_261 : vector<16xf32>
      %eq3A_263 = arith.constant 6 : i32
      %eq3A_264 = vector.broadcast %eq3A_263 : i32 to vector<16xi32>
      %eq3A_265 = arith.cmpi eq, %get3A_208, %eq3A_264 : vector<16xi32>
      %jit3A_266 = arith.constant 1.000000e+00 : f32
      %jit3A_267 = arith.constant 0.000000e+00 : f32
      %broadcast_in_dim3A_268 = vector.broadcast %jit3A_266 : f32 to vector<16xf32>
      %broadcast_in_dim3A_269 = vector.broadcast %jit3A_267 : f32 to vector<16xf32>
      %select_n3A_270 = arith.select %eq3A_265, %broadcast_in_dim3A_268, %broadcast_in_dim3A_269 : vector<16xi1>, vector<16xf32>
      %add3A_271 = arith.addf %add3A_191, %select_n3A_270 : vector<16xf32>
      %eq3A_272 = arith.constant 7 : i32
      %eq3A_273 = vector.broadcast %eq3A_272 : i32 to vector<16xi32>
      %eq3A_274 = arith.cmpi eq, %get3A_208, %eq3A_273 : vector<16xi32>
      %jit3A_275 = arith.constant 1.000000e+00 : f32
      %jit3A_276 = arith.constant 0.000000e+00 : f32
      %broadcast_in_dim3A_277 = vector.broadcast %jit3A_275 : f32 to vector<16xf32>
      %broadcast_in_dim3A_278 = vector.broadcast %jit3A_276 : f32 to vector<16xf32>
      %select_n3A_279 = arith.select %eq3A_274, %broadcast_in_dim3A_277, %broadcast_in_dim3A_278 : vector<16xi1>, vector<16xf32>
      %add3A_280 = arith.addf %add3A_200, %select_n3A_279 : vector<16xf32>
      %mul3A_281 = arith.constant 4 : i32
      %mul3A_282 = arith.muli %scan3A_113, %mul3A_281 : i32
      %add3A_283 = arith.constant 2 : i32
      %add3A_284 = arith.addi %mul3A_282, %add3A_283 : i32
      %mul3A_285 = arith.constant 16 : i32
      %mul3A_286 = arith.muli %add3A_284, %mul3A_285 : i32
      %get3A_287 = arith.index_cast %mul3A_286 : i32 to index
      %get3A_288 = tpu.vector_load %arg5[%get3A_287] {strides = array<i32>} : memref<4096xi32, #tpu.memory_space<vmem>>, vector<16xi32>,
      %eq3A_289 = arith.constant 0 : i32
      %eq3A_290 = vector.broadcast %eq3A_289 : i32 to vector<16xi32>
      %eq3A_291 = arith.cmpi eq, %get3A_288, %eq3A_290 : vector<16xi32>
      %jit3A_292 = arith.constant 1.000000e+00 : f32
      %jit3A_293 = arith.constant 0.000000e+00 : f32
      %broadcast_in_dim3A_294 = vector.broadcast %jit3A_292 : f32 to vector<16xf32>
      %broadcast_in_dim3A_295 = vector.broadcast %jit3A_293 : f32 to vector<16xf32>
      %select_n3A_296 = arith.select %eq3A_291, %broadcast_in_dim3A_294, %broadcast_in_dim3A_295 : vector<16xi1>, vector<16xf32>
      %add3A_297 = arith.addf %add3A_217, %select_n3A_296 : vector<16xf32>
      %eq3A_298 = arith.constant 1 : i32
      %eq3A_299 = vector.broadcast %eq3A_298 : i32 to vector<16xi32>
      %eq3A_300 = arith.cmpi eq, %get3A_288, %eq3A_299 : vector<16xi32>
      %jit3A_301 = arith.constant 1.000000e+00 : f32
      %jit3A_302 = arith.constant 0.000000e+00 : f32
      %broadcast_in_dim3A_303 = vector.broadcast %jit3A_301 : f32 to vector<16xf32>
      %broadcast_in_dim3A_304 = vector.broadcast %jit3A_302 : f32 to vector<16xf32>
      %select_n3A_305 = arith.select %eq3A_300, %broadcast_in_dim3A_303, %broadcast_in_dim3A_304 : vector<16xi1>, vector<16xf32>
      %add3A_306 = arith.addf %add3A_226, %select_n3A_305 : vector<16xf32>
      %eq3A_307 = arith.constant 2 : i32
      %eq3A_308 = vector.broadcast %eq3A_307 : i32 to vector<16xi32>
      %eq3A_309 = arith.cmpi eq, %get3A_288, %eq3A_308 : vector<16xi32>
      %jit3A_310 = arith.constant 1.000000e+00 : f32
      %jit3A_311 = arith.constant 0.000000e+00 : f32
      %broadcast_in_dim3A_312 = vector.broadcast %jit3A_310 : f32 to vector<16xf32>
      %broadcast_in_dim3A_313 = vector.broadcast %jit3A_311 : f32 to vector<16xf32>
      %select_n3A_314 = arith.select %eq3A_309, %broadcast_in_dim3A_312, %broadcast_in_dim3A_313 : vector<16xi1>, vector<16xf32>
      %add3A_315 = arith.addf %add3A_235, %select_n3A_314 : vector<16xf32>
      %eq3A_316 = arith.constant 3 : i32
      %eq3A_317 = vector.broadcast %eq3A_316 : i32 to vector<16xi32>
      %eq3A_318 = arith.cmpi eq, %get3A_288, %eq3A_317 : vector<16xi32>
      %jit3A_319 = arith.constant 1.000000e+00 : f32
      %jit3A_320 = arith.constant 0.000000e+00 : f32
      %broadcast_in_dim3A_321 = vector.broadcast %jit3A_319 : f32 to vector<16xf32>
      %broadcast_in_dim3A_322 = vector.broadcast %jit3A_320 : f32 to vector<16xf32>
      %select_n3A_323 = arith.select %eq3A_318, %broadcast_in_dim3A_321, %broadcast_in_dim3A_322 : vector<16xi1>, vector<16xf32>
      %add3A_324 = arith.addf %add3A_244, %select_n3A_323 : vector<16xf32>
      %eq3A_325 = arith.constant 4 : i32
      %eq3A_326 = vector.broadcast %eq3A_325 : i32 to vector<16xi32>
      %eq3A_327 = arith.cmpi eq, %get3A_288, %eq3A_326 : vector<16xi32>
      %jit3A_328 = arith.constant 1.000000e+00 : f32
      %jit3A_329 = arith.constant 0.000000e+00 : f32
      %broadcast_in_dim3A_330 = vector.broadcast %jit3A_328 : f32 to vector<16xf32>
      %broadcast_in_dim3A_331 = vector.broadcast %jit3A_329 : f32 to vector<16xf32>
      %select_n3A_332 = arith.select %eq3A_327, %broadcast_in_dim3A_330, %broadcast_in_dim3A_331 : vector<16xi1>, vector<16xf32>
      %add3A_333 = arith.addf %add3A_253, %select_n3A_332 : vector<16xf32>
      %eq3A_334 = arith.constant 5 : i32
      %eq3A_335 = vector.broadcast %eq3A_334 : i32 to vector<16xi32>
      %eq3A_336 = arith.cmpi eq, %get3A_288, %eq3A_335 : vector<16xi32>
      %jit3A_337 = arith.constant 1.000000e+00 : f32
      %jit3A_338 = arith.constant 0.000000e+00 : f32
      %broadcast_in_dim3A_339 = vector.broadcast %jit3A_337 : f32 to vector<16xf32>
      %broadcast_in_dim3A_340 = vector.broadcast %jit3A_338 : f32 to vector<16xf32>
      %select_n3A_341 = arith.select %eq3A_336, %broadcast_in_dim3A_339, %broadcast_in_dim3A_340 : vector<16xi1>, vector<16xf32>
      %add3A_342 = arith.addf %add3A_262, %select_n3A_341 : vector<16xf32>
      %eq3A_343 = arith.constant 6 : i32
      %eq3A_344 = vector.broadcast %eq3A_343 : i32 to vector<16xi32>
      %eq3A_345 = arith.cmpi eq, %get3A_288, %eq3A_344 : vector<16xi32>
      %jit3A_346 = arith.constant 1.000000e+00 : f32
      %jit3A_347 = arith.constant 0.000000e+00 : f32
      %broadcast_in_dim3A_348 = vector.broadcast %jit3A_346 : f32 to vector<16xf32>
      %broadcast_in_dim3A_349 = vector.broadcast %jit3A_347 : f32 to vector<16xf32>
      %select_n3A_350 = arith.select %eq3A_345, %broadcast_in_dim3A_348, %broadcast_in_dim3A_349 : vector<16xi1>, vector<16xf32>
      %add3A_351 = arith.addf %add3A_271, %select_n3A_350 : vector<16xf32>
      %eq3A_352 = arith.constant 7 : i32
      %eq3A_353 = vector.broadcast %eq3A_352 : i32 to vector<16xi32>
      %eq3A_354 = arith.cmpi eq, %get3A_288, %eq3A_353 : vector<16xi32>
      %jit3A_355 = arith.constant 1.000000e+00 : f32
      %jit3A_356 = arith.constant 0.000000e+00 : f32
      %broadcast_in_dim3A_357 = vector.broadcast %jit3A_355 : f32 to vector<16xf32>
      %broadcast_in_dim3A_358 = vector.broadcast %jit3A_356 : f32 to vector<16xf32>
      %select_n3A_359 = arith.select %eq3A_354, %broadcast_in_dim3A_357, %broadcast_in_dim3A_358 : vector<16xi1>, vector<16xf32>
      %add3A_360 = arith.addf %add3A_280, %select_n3A_359 : vector<16xf32>
      %mul3A_361 = arith.constant 4 : i32
      %mul3A_362 = arith.muli %scan3A_113, %mul3A_361 : i32
      %add3A_363 = arith.constant 3 : i32
      %add3A_364 = arith.addi %mul3A_362, %add3A_363 : i32
      %mul3A_365 = arith.constant 16 : i32
      %mul3A_366 = arith.muli %add3A_364, %mul3A_365 : i32
      %get3A_367 = arith.index_cast %mul3A_366 : i32 to index
      %get3A_368 = tpu.vector_load %arg5[%get3A_367] {strides = array<i32>} : memref<4096xi32, #tpu.memory_space<vmem>>, vector<16xi32>,
      %eq3A_369 = arith.constant 0 : i32
      %eq3A_370 = vector.broadcast %eq3A_369 : i32 to vector<16xi32>
      %eq3A_371 = arith.cmpi eq, %get3A_368, %eq3A_370 : vector<16xi32>
      %jit3A_372 = arith.constant 1.000000e+00 : f32
      %jit3A_373 = arith.constant 0.000000e+00 : f32
      %broadcast_in_dim3A_374 = vector.broadcast %jit3A_372 : f32 to vector<16xf32>
      %broadcast_in_dim3A_375 = vector.broadcast %jit3A_373 : f32 to vector<16xf32>
      %select_n3A_376 = arith.select %eq3A_371, %broadcast_in_dim3A_374, %broadcast_in_dim3A_375 : vector<16xi1>, vector<16xf32>
      %add3A_377 = arith.addf %add3A_297, %select_n3A_376 : vector<16xf32>
      %eq3A_378 = arith.constant 1 : i32
      %eq3A_379 = vector.broadcast %eq3A_378 : i32 to vector<16xi32>
      %eq3A_380 = arith.cmpi eq, %get3A_368, %eq3A_379 : vector<16xi32>
      %jit3A_381 = arith.constant 1.000000e+00 : f32
      %jit3A_382 = arith.constant 0.000000e+00 : f32
      %broadcast_in_dim3A_383 = vector.broadcast %jit3A_381 : f32 to vector<16xf32>
      %broadcast_in_dim3A_384 = vector.broadcast %jit3A_382 : f32 to vector<16xf32>
      %select_n3A_385 = arith.select %eq3A_380, %broadcast_in_dim3A_383, %broadcast_in_dim3A_384 : vector<16xi1>, vector<16xf32>
      %add3A_386 = arith.addf %add3A_306, %select_n3A_385 : vector<16xf32>
      %eq3A_387 = arith.constant 2 : i32
      %eq3A_388 = vector.broadcast %eq3A_387 : i32 to vector<16xi32>
      %eq3A_389 = arith.cmpi eq, %get3A_368, %eq3A_388 : vector<16xi32>
      %jit3A_390 = arith.constant 1.000000e+00 : f32
      %jit3A_391 = arith.constant 0.000000e+00 : f32
      %broadcast_in_dim3A_392 = vector.broadcast %jit3A_390 : f32 to vector<16xf32>
      %broadcast_in_dim3A_393 = vector.broadcast %jit3A_391 : f32 to vector<16xf32>
      %select_n3A_394 = arith.select %eq3A_389, %broadcast_in_dim3A_392, %broadcast_in_dim3A_393 : vector<16xi1>, vector<16xf32>
      %add3A_395 = arith.addf %add3A_315, %select_n3A_394 : vector<16xf32>
      %eq3A_396 = arith.constant 3 : i32
      %eq3A_397 = vector.broadcast %eq3A_396 : i32 to vector<16xi32>
      %eq3A_398 = arith.cmpi eq, %get3A_368, %eq3A_397 : vector<16xi32>
      %jit3A_399 = arith.constant 1.000000e+00 : f32
      %jit3A_400 = arith.constant 0.000000e+00 : f32
      %broadcast_in_dim3A_401 = vector.broadcast %jit3A_399 : f32 to vector<16xf32>
      %broadcast_in_dim3A_402 = vector.broadcast %jit3A_400 : f32 to vector<16xf32>
      %select_n3A_403 = arith.select %eq3A_398, %broadcast_in_dim3A_401, %broadcast_in_dim3A_402 : vector<16xi1>, vector<16xf32>
      %add3A_404 = arith.addf %add3A_324, %select_n3A_403 : vector<16xf32>
      %eq3A_405 = arith.constant 4 : i32
      %eq3A_406 = vector.broadcast %eq3A_405 : i32 to vector<16xi32>
      %eq3A_407 = arith.cmpi eq, %get3A_368, %eq3A_406 : vector<16xi32>
      %jit3A_408 = arith.constant 1.000000e+00 : f32
      %jit3A_409 = arith.constant 0.000000e+00 : f32
      %broadcast_in_dim3A_410 = vector.broadcast %jit3A_408 : f32 to vector<16xf32>
      %broadcast_in_dim3A_411 = vector.broadcast %jit3A_409 : f32 to vector<16xf32>
      %select_n3A_412 = arith.select %eq3A_407, %broadcast_in_dim3A_410, %broadcast_in_dim3A_411 : vector<16xi1>, vector<16xf32>
      %add3A_413 = arith.addf %add3A_333, %select_n3A_412 : vector<16xf32>
      %eq3A_414 = arith.constant 5 : i32
      %eq3A_415 = vector.broadcast %eq3A_414 : i32 to vector<16xi32>
      %eq3A_416 = arith.cmpi eq, %get3A_368, %eq3A_415 : vector<16xi32>
      %jit3A_417 = arith.constant 1.000000e+00 : f32
      %jit3A_418 = arith.constant 0.000000e+00 : f32
      %broadcast_in_dim3A_419 = vector.broadcast %jit3A_417 : f32 to vector<16xf32>
      %broadcast_in_dim3A_420 = vector.broadcast %jit3A_418 : f32 to vector<16xf32>
      %select_n3A_421 = arith.select %eq3A_416, %broadcast_in_dim3A_419, %broadcast_in_dim3A_420 : vector<16xi1>, vector<16xf32>
      %add3A_422 = arith.addf %add3A_342, %select_n3A_421 : vector<16xf32>
      %eq3A_423 = arith.constant 6 : i32
      %eq3A_424 = vector.broadcast %eq3A_423 : i32 to vector<16xi32>
      %eq3A_425 = arith.cmpi eq, %get3A_368, %eq3A_424 : vector<16xi32>
      %jit3A_426 = arith.constant 1.000000e+00 : f32
      %jit3A_427 = arith.constant 0.000000e+00 : f32
      %broadcast_in_dim3A_428 = vector.broadcast %jit3A_426 : f32 to vector<16xf32>
      %broadcast_in_dim3A_429 = vector.broadcast %jit3A_427 : f32 to vector<16xf32>
      %select_n3A_430 = arith.select %eq3A_425, %broadcast_in_dim3A_428, %broadcast_in_dim3A_429 : vector<16xi1>, vector<16xf32>
      %add3A_431 = arith.addf %add3A_351, %select_n3A_430 : vector<16xf32>
      %eq3A_432 = arith.constant 7 : i32
      %eq3A_433 = vector.broadcast %eq3A_432 : i32 to vector<16xi32>
      %eq3A_434 = arith.cmpi eq, %get3A_368, %eq3A_433 : vector<16xi32>
      %jit3A_435 = arith.constant 1.000000e+00 : f32
      %jit3A_436 = arith.constant 0.000000e+00 : f32
      %broadcast_in_dim3A_437 = vector.broadcast %jit3A_435 : f32 to vector<16xf32>
      %broadcast_in_dim3A_438 = vector.broadcast %jit3A_436 : f32 to vector<16xf32>
      %select_n3A_439 = arith.select %eq3A_434, %broadcast_in_dim3A_437, %broadcast_in_dim3A_438 : vector<16xi1>, vector<16xf32>
      %add3A_440 = arith.addf %add3A_360, %select_n3A_439 : vector<16xf32>
      scf.yield %add3A_377, %add3A_386, %add3A_395, %add3A_404, %add3A_413, %add3A_422, %add3A_431, %add3A_440 : vector<16xf32>, vector<16xf32>, vector<16xf32>, vector<16xf32>, vector<16xf32>, vector<16xf32>, vector<16xf32>, vector<16xf32>
    }
    %scan3A_35 = arith.constant 64 : i32
    %reduce_sum3A = arith.constant true
    %reduce_sum3A_36 = vector.broadcast %reduce_sum3A : i1 to vector<16xi1>
    %reduce_sum3A_37 = tpu.scan <sum>, %scan3A_34#0 masked %reduce_sum3A_36 : vector<16xf32>, vector<16xi1> -> vector<16xf32>
    %reduce_sum3A_38 = vector.extract %reduce_sum3A_37[15] : f32 from vector<16xf32>
    %eq3A_39 = arith.constant 0 : i32
    %eq3A_40 = vector.broadcast %eq3A_39 : i32 to vector<16xi32>
    %eq3A_41 = arith.cmpi eq, %iota3A, %eq3A_40 : vector<16xi32>
    %broadcast_in_dim3A_42 = vector.broadcast %reduce_sum3A_38 : f32 to vector<16xf32>
    %select_n3A_43 = arith.select %eq3A_41, %broadcast_in_dim3A_42, %broadcast_in_dim3A_30 : vector<16xi1>, vector<16xf32>
    %reduce_sum3A_44 = arith.constant true
    %reduce_sum3A_45 = vector.broadcast %reduce_sum3A_44 : i1 to vector<16xi1>
    %reduce_sum3A_46 = tpu.scan <sum>, %scan3A_34#1 masked %reduce_sum3A_45 : vector<16xf32>, vector<16xi1> -> vector<16xf32>
    %reduce_sum3A_47 = vector.extract %reduce_sum3A_46[15] : f32 from vector<16xf32>
    %eq3A_48 = arith.constant 1 : i32
    %eq3A_49 = vector.broadcast %eq3A_48 : i32 to vector<16xi32>
    %eq3A_50 = arith.cmpi eq, %iota3A, %eq3A_49 : vector<16xi32>
    %broadcast_in_dim3A_51 = vector.broadcast %reduce_sum3A_47 : f32 to vector<16xf32>
    %select_n3A_52 = arith.select %eq3A_50, %broadcast_in_dim3A_51, %select_n3A_43 : vector<16xi1>, vector<16xf32>
    %reduce_sum3A_53 = arith.constant true
    %reduce_sum3A_54 = vector.broadcast %reduce_sum3A_53 : i1 to vector<16xi1>
    %reduce_sum3A_55 = tpu.scan <sum>, %scan3A_34#2 masked %reduce_sum3A_54 : vector<16xf32>, vector<16xi1> -> vector<16xf32>
    %reduce_sum3A_56 = vector.extract %reduce_sum3A_55[15] : f32 from vector<16xf32>
    %eq3A_57 = arith.constant 2 : i32
    %eq3A_58 = vector.broadcast %eq3A_57 : i32 to vector<16xi32>
    %eq3A_59 = arith.cmpi eq, %iota3A, %eq3A_58 : vector<16xi32>
    %broadcast_in_dim3A_60 = vector.broadcast %reduce_sum3A_56 : f32 to vector<16xf32>
    %select_n3A_61 = arith.select %eq3A_59, %broadcast_in_dim3A_60, %select_n3A_52 : vector<16xi1>, vector<16xf32>
    %reduce_sum3A_62 = arith.constant true
    %reduce_sum3A_63 = vector.broadcast %reduce_sum3A_62 : i1 to vector<16xi1>
    %reduce_sum3A_64 = tpu.scan <sum>, %scan3A_34#3 masked %reduce_sum3A_63 : vector<16xf32>, vector<16xi1> -> vector<16xf32>
    %reduce_sum3A_65 = vector.extract %reduce_sum3A_64[15] : f32 from vector<16xf32>
    %eq3A_66 = arith.constant 3 : i32
    %eq3A_67 = vector.broadcast %eq3A_66 : i32 to vector<16xi32>
    %eq3A_68 = arith.cmpi eq, %iota3A, %eq3A_67 : vector<16xi32>
    %broadcast_in_dim3A_69 = vector.broadcast %reduce_sum3A_65 : f32 to vector<16xf32>
    %select_n3A_70 = arith.select %eq3A_68, %broadcast_in_dim3A_69, %select_n3A_61 : vector<16xi1>, vector<16xf32>
    %reduce_sum3A_71 = arith.constant true
    %reduce_sum3A_72 = vector.broadcast %reduce_sum3A_71 : i1 to vector<16xi1>
    %reduce_sum3A_73 = tpu.scan <sum>, %scan3A_34#4 masked %reduce_sum3A_72 : vector<16xf32>, vector<16xi1> -> vector<16xf32>
    %reduce_sum3A_74 = vector.extract %reduce_sum3A_73[15] : f32 from vector<16xf32>
    %eq3A_75 = arith.constant 4 : i32
    %eq3A_76 = vector.broadcast %eq3A_75 : i32 to vector<16xi32>
    %eq3A_77 = arith.cmpi eq, %iota3A, %eq3A_76 : vector<16xi32>
    %broadcast_in_dim3A_78 = vector.broadcast %reduce_sum3A_74 : f32 to vector<16xf32>
    %select_n3A_79 = arith.select %eq3A_77, %broadcast_in_dim3A_78, %select_n3A_70 : vector<16xi1>, vector<16xf32>
    %reduce_sum3A_80 = arith.constant true
    %reduce_sum3A_81 = vector.broadcast %reduce_sum3A_80 : i1 to vector<16xi1>
    %reduce_sum3A_82 = tpu.scan <sum>, %scan3A_34#5 masked %reduce_sum3A_81 : vector<16xf32>, vector<16xi1> -> vector<16xf32>
    %reduce_sum3A_83 = vector.extract %reduce_sum3A_82[15] : f32 from vector<16xf32>
    %eq3A_84 = arith.constant 5 : i32
    %eq3A_85 = vector.broadcast %eq3A_84 : i32 to vector<16xi32>
    %eq3A_86 = arith.cmpi eq, %iota3A, %eq3A_85 : vector<16xi32>
    %broadcast_in_dim3A_87 = vector.broadcast %reduce_sum3A_83 : f32 to vector<16xf32>
    %select_n3A_88 = arith.select %eq3A_86, %broadcast_in_dim3A_87, %select_n3A_79 : vector<16xi1>, vector<16xf32>
    %reduce_sum3A_89 = arith.constant true
    %reduce_sum3A_90 = vector.broadcast %reduce_sum3A_89 : i1 to vector<16xi1>
    %reduce_sum3A_91 = tpu.scan <sum>, %scan3A_34#6 masked %reduce_sum3A_90 : vector<16xf32>, vector<16xi1> -> vector<16xf32>
    %reduce_sum3A_92 = vector.extract %reduce_sum3A_91[15] : f32 from vector<16xf32>
    %eq3A_93 = arith.constant 6 : i32
    %eq3A_94 = vector.broadcast %eq3A_93 : i32 to vector<16xi32>
    %eq3A_95 = arith.cmpi eq, %iota3A, %eq3A_94 : vector<16xi32>
    %broadcast_in_dim3A_96 = vector.broadcast %reduce_sum3A_92 : f32 to vector<16xf32>
    %select_n3A_97 = arith.select %eq3A_95, %broadcast_in_dim3A_96, %select_n3A_88 : vector<16xi1>, vector<16xf32>
    %reduce_sum3A_98 = arith.constant true
    %reduce_sum3A_99 = vector.broadcast %reduce_sum3A_98 : i1 to vector<16xi1>
    %reduce_sum3A_100 = tpu.scan <sum>, %scan3A_34#7 masked %reduce_sum3A_99 : vector<16xf32>, vector<16xi1> -> vector<16xf32>
    %reduce_sum3A_101 = vector.extract %reduce_sum3A_100[15] : f32 from vector<16xf32>
    %eq3A_102 = arith.constant 7 : i32
    %eq3A_103 = vector.broadcast %eq3A_102 : i32 to vector<16xi32>
    %eq3A_104 = arith.cmpi eq, %iota3A, %eq3A_103 : vector<16xi32>
    %broadcast_in_dim3A_105 = vector.broadcast %reduce_sum3A_101 : f32 to vector<16xf32>
    %select_n3A_106 = arith.select %eq3A_104, %broadcast_in_dim3A_105, %select_n3A_97 : vector<16xi1>, vector<16xf32>
    %swap3A = arith.constant 0 : index
    %swap3A_107 = tpu.vector_load %arg6[%swap3A] {strides = array<i32>} : memref<16xf32, #tpu.memory_space<vmem>>, vector<16xf32>,
    tpu.vector_store %arg6[%swap3A], %select_n3A_106 {strides = array<i32>} : memref<16xf32, #tpu.memory_space<vmem>>, vector<16xf32>,
    %mul3A_108 = arith.constant 16 : i32
    %mul3A_109 = arith.muli %arg1, %mul3A_108 : i32
    "tpu.region"() ({
      %run_scoped3A = tpu.sem_alloc : memref<!tpu.dma_semaphore, #tpu.memory_space<semaphore_mem>>
      %dma_start3A = tpu.memref_slice %arg7[%mul3A_109] : memref<256xf32, #tpu.memory_space<vmem_shared>> -> memref<16xf32, #tpu.memory_space<vmem_shared>>
      %dma_start3A_113 = tpu.memref_slice %arg7[%mul3A_109] : memref<256xf32, #tpu.memory_space<vmem_shared>> -> memref<16xf32, #tpu.memory_space<vmem_shared>>
      tpu.enqueue_dma source(%arg6 : memref<16xf32, #tpu.memory_space<vmem>>) target(%dma_start3A_113 : memref<16xf32, #tpu.memory_space<vmem_shared>>) target_semaphore(%run_scoped3A : memref<!tpu.dma_semaphore, #tpu.memory_space<semaphore_mem>>)
      %dma_wait3A = tpu.memref_slice %arg7[%mul3A_109] : memref<256xf32, #tpu.memory_space<vmem_shared>> -> memref<16xf32, #tpu.memory_space<vmem_shared>>
      %dma_wait3A_114 = tpu.memref_slice %arg7[%mul3A_109] : memref<256xf32, #tpu.memory_space<vmem_shared>> -> memref<16xf32, #tpu.memory_space<vmem_shared>>
      tpu.wait_dma2 semaphore(%run_scoped3A : memref<!tpu.dma_semaphore, #tpu.memory_space<semaphore_mem>>) src(%arg6 : memref<16xf32, #tpu.memory_space<vmem>>) dst(%dma_wait3A_114 : memref<16xf32, #tpu.memory_space<vmem_shared>>)
      tpu.yield
    }) : () -> ()
    %barrier3A = arith.constant 0 : index
    tpu.barrier barrier_id(%barrier3A)
    %eq3A_110 = arith.constant 0 : i32
    %eq3A_111 = arith.cmpi eq, %arg1, %eq3A_110 : i32
    %convert_element_type3A = arith.extui %eq3A_111 : i1 to i32
    %cond3A = arith.constant 0 : i32
    %cond3A_112 = arith.cmpi ne, %convert_element_type3A, %cond3A : i32
    scf.if %cond3A_112 {
      "tpu.region"() ({
        %run_scoped3A = tpu.sem_alloc : memref<!tpu.dma_semaphore, #tpu.memory_space<semaphore_mem>>
        tpu.enqueue_dma source(%arg7 : memref<256xf32, #tpu.memory_space<vmem_shared>>) target(%arg8 : memref<256xf32, #tpu.memory_space<vmem>>) target_semaphore(%run_scoped3A : memref<!tpu.dma_semaphore, #tpu.memory_space<semaphore_mem>>)
        tpu.wait_dma2 semaphore(%run_scoped3A : memref<!tpu.dma_semaphore, #tpu.memory_space<semaphore_mem>>) src(%arg7 : memref<256xf32, #tpu.memory_space<vmem_shared>>) dst(%arg8 : memref<256xf32, #tpu.memory_space<vmem>>)
        tpu.yield
      }) : () -> ()
      %get3A = arith.constant 0 : index
      %get3A_113 = tpu.vector_load %arg8[%get3A] {strides = array<i32>} : memref<256xf32, #tpu.memory_space<vmem>>, vector<16xf32>,
      %get3A_114 = arith.constant 16 : index
      %get3A_115 = tpu.vector_load %arg8[%get3A_114] {strides = array<i32>} : memref<256xf32, #tpu.memory_space<vmem>>, vector<16xf32>,
      %add3A_116 = arith.addf %get3A_113, %get3A_115 : vector<16xf32>
      %get3A_117 = arith.constant 32 : index
      %get3A_118 = tpu.vector_load %arg8[%get3A_117] {strides = array<i32>} : memref<256xf32, #tpu.memory_space<vmem>>, vector<16xf32>,
      %add3A_119 = arith.addf %add3A_116, %get3A_118 : vector<16xf32>
      %get3A_120 = arith.constant 48 : index
      %get3A_121 = tpu.vector_load %arg8[%get3A_120] {strides = array<i32>} : memref<256xf32, #tpu.memory_space<vmem>>, vector<16xf32>,
      %add3A_122 = arith.addf %add3A_119, %get3A_121 : vector<16xf32>
      %get3A_123 = arith.constant 64 : index
      %get3A_124 = tpu.vector_load %arg8[%get3A_123] {strides = array<i32>} : memref<256xf32, #tpu.memory_space<vmem>>, vector<16xf32>,
      %add3A_125 = arith.addf %add3A_122, %get3A_124 : vector<16xf32>
      %get3A_126 = arith.constant 80 : index
      %get3A_127 = tpu.vector_load %arg8[%get3A_126] {strides = array<i32>} : memref<256xf32, #tpu.memory_space<vmem>>, vector<16xf32>,
      %add3A_128 = arith.addf %add3A_125, %get3A_127 : vector<16xf32>
      %get3A_129 = arith.constant 96 : index
      %get3A_130 = tpu.vector_load %arg8[%get3A_129] {strides = array<i32>} : memref<256xf32, #tpu.memory_space<vmem>>, vector<16xf32>,
      %add3A_131 = arith.addf %add3A_128, %get3A_130 : vector<16xf32>
      %get3A_132 = arith.constant 112 : index
      %get3A_133 = tpu.vector_load %arg8[%get3A_132] {strides = array<i32>} : memref<256xf32, #tpu.memory_space<vmem>>, vector<16xf32>,
      %add3A_134 = arith.addf %add3A_131, %get3A_133 : vector<16xf32>
      %get3A_135 = arith.constant 128 : index
      %get3A_136 = tpu.vector_load %arg8[%get3A_135] {strides = array<i32>} : memref<256xf32, #tpu.memory_space<vmem>>, vector<16xf32>,
      %add3A_137 = arith.addf %add3A_134, %get3A_136 : vector<16xf32>
      %get3A_138 = arith.constant 144 : index
      %get3A_139 = tpu.vector_load %arg8[%get3A_138] {strides = array<i32>} : memref<256xf32, #tpu.memory_space<vmem>>, vector<16xf32>,
      %add3A_140 = arith.addf %add3A_137, %get3A_139 : vector<16xf32>
      %get3A_141 = arith.constant 160 : index
      %get3A_142 = tpu.vector_load %arg8[%get3A_141] {strides = array<i32>} : memref<256xf32, #tpu.memory_space<vmem>>, vector<16xf32>,
      %add3A_143 = arith.addf %add3A_140, %get3A_142 : vector<16xf32>
      %get3A_144 = arith.constant 176 : index
      %get3A_145 = tpu.vector_load %arg8[%get3A_144] {strides = array<i32>} : memref<256xf32, #tpu.memory_space<vmem>>, vector<16xf32>,
      %add3A_146 = arith.addf %add3A_143, %get3A_145 : vector<16xf32>
      %get3A_147 = arith.constant 192 : index
      %get3A_148 = tpu.vector_load %arg8[%get3A_147] {strides = array<i32>} : memref<256xf32, #tpu.memory_space<vmem>>, vector<16xf32>,
      %add3A_149 = arith.addf %add3A_146, %get3A_148 : vector<16xf32>
      %get3A_150 = arith.constant 208 : index
      %get3A_151 = tpu.vector_load %arg8[%get3A_150] {strides = array<i32>} : memref<256xf32, #tpu.memory_space<vmem>>, vector<16xf32>,
      %add3A_152 = arith.addf %add3A_149, %get3A_151 : vector<16xf32>
      %get3A_153 = arith.constant 224 : index
      %get3A_154 = tpu.vector_load %arg8[%get3A_153] {strides = array<i32>} : memref<256xf32, #tpu.memory_space<vmem>>, vector<16xf32>,
      %add3A_155 = arith.addf %add3A_152, %get3A_154 : vector<16xf32>
      %get3A_156 = arith.constant 240 : index
      %get3A_157 = tpu.vector_load %arg8[%get3A_156] {strides = array<i32>} : memref<256xf32, #tpu.memory_space<vmem>>, vector<16xf32>,
      %add3A_158 = arith.addf %add3A_155, %get3A_157 : vector<16xf32>
      %reduce_sum3A_159 = arith.constant true
      %reduce_sum3A_160 = vector.broadcast %reduce_sum3A_159 : i1 to vector<16xi1>
      %reduce_sum3A_161 = tpu.scan <sum>, %add3A_158 masked %reduce_sum3A_160 : vector<16xf32>, vector<16xi1> -> vector<16xf32>
      %reduce_sum3A_162 = vector.extract %reduce_sum3A_161[15] : f32 from vector<16xf32>
      %lt3A_163 = arith.constant 8 : i32
      %lt3A_164 = vector.broadcast %lt3A_163 : i32 to vector<16xi32>
      %lt3A_165 = arith.cmpi slt, %iota3A, %lt3A_164 : vector<16xi32>
      %jit3A_166 = arith.constant 1.000000e+30 : f32
      %broadcast_in_dim3A_167 = vector.broadcast %jit3A_166 : f32 to vector<16xf32>
      %select_n3A_168 = arith.select %lt3A_165, %add3A_158, %broadcast_in_dim3A_167 : vector<16xi1>, vector<16xf32>
      %masked_sort3A = arith.constant dense<true> : vector<16xi1>
      %masked_sort3A_169, %masked_sort3A_170, %masked_sort3A_171 = tpu.sort %select_n3A_168, %iota3A masked %masked_sort3A : (vector<16xf32>, vector<16xi32>, vector<16xi1>) -> (vector<16xi1>, vector<16xf32>, vector<16xi32>)
      %convert_element_type3A_172 = arith.sitofp %iota3A : vector<16xi32> to vector<16xf32>
      %lt3A_173 = arith.constant 8 : i32
      %lt3A_174 = vector.broadcast %lt3A_173 : i32 to vector<16xi32>
      %lt3A_175 = arith.cmpi slt, %iota3A, %lt3A_174 : vector<16xi32>
      %add3A_176 = arith.constant 1.000000e+00 : f32
      %add3A_177 = vector.broadcast %add3A_176 : f32 to vector<16xf32>
      %add3A_178 = arith.addf %convert_element_type3A_172, %add3A_177 : vector<16xf32>
      %mul3A_179 = arith.constant 2.000000e+00 : f32
      %mul3A_180 = vector.broadcast %mul3A_179 : f32 to vector<16xf32>
      %mul3A_181 = arith.mulf %mul3A_180, %add3A_178 : vector<16xf32>
      %sub3A_182 = arith.constant 8.000000e+00 : f32
      %sub3A_183 = vector.broadcast %sub3A_182 : f32 to vector<16xf32>
      %sub3A_184 = arith.subf %mul3A_181, %sub3A_183 : vector<16xf32>
      %sub3A_185 = arith.constant 1.000000e+00 : f32
      %sub3A_186 = vector.broadcast %sub3A_185 : f32 to vector<16xf32>
      %sub3A_187 = arith.subf %sub3A_184, %sub3A_186 : vector<16xf32>
      %jit3A_188 = arith.constant 0.000000e+00 : f32
      %broadcast_in_dim3A_189 = vector.broadcast %jit3A_188 : f32 to vector<16xf32>
      %select_n3A_190 = arith.select %lt3A_175, %sub3A_187, %broadcast_in_dim3A_189 : vector<16xi1>, vector<16xf32>
      %mul3A_191 = arith.mulf %select_n3A_190, %masked_sort3A_170 : vector<16xf32>
      %reduce_sum3A_192 = arith.constant true
      %reduce_sum3A_193 = vector.broadcast %reduce_sum3A_192 : i1 to vector<16xi1>
      %reduce_sum3A_194 = tpu.scan <sum>, %mul3A_191 masked %reduce_sum3A_193 : vector<16xf32>, vector<16xi1> -> vector<16xf32>
      %reduce_sum3A_195 = vector.extract %reduce_sum3A_194[15] : f32 from vector<16xf32>
      %broadcast_in_dim3A_196 = vector.broadcast %reduce_sum3A_195 : f32 to vector<16xf32>
      %mul3A_197 = arith.constant 8.000000e+00 : f32
      %mul3A_198 = arith.mulf %mul3A_197, %reduce_sum3A_162 : f32
      %add3A_199 = arith.constant 1.000000e-10 : f32
      %add3A_200 = arith.addf %mul3A_198, %add3A_199 : f32
      %broadcast_in_dim3A_201 = vector.broadcast %add3A_200 : f32 to vector<16xf32>
      %div3A_202 = arith.divf %broadcast_in_dim3A_196, %broadcast_in_dim3A_201 : vector<16xf32>
      %swap3A_203 = arith.constant 0 : index
      %swap3A_204 = tpu.vector_load %arg6[%swap3A_203] {strides = array<i32>} : memref<16xf32, #tpu.memory_space<vmem>>, vector<16xf32>,
      tpu.vector_store %arg6[%swap3A_203], %add3A_158 {strides = array<i32>} : memref<16xf32, #tpu.memory_space<vmem>>, vector<16xf32>,
      "tpu.region"() ({
        %run_scoped3A = tpu.sem_alloc : memref<!tpu.dma_semaphore, #tpu.memory_space<semaphore_mem>>
        tpu.enqueue_dma source(%arg6 : memref<16xf32, #tpu.memory_space<vmem>>) target(%arg3 : memref<16xf32, #tpu.memory_space<hbm>>) target_semaphore(%run_scoped3A : memref<!tpu.dma_semaphore, #tpu.memory_space<semaphore_mem>>)
        tpu.wait_dma2 semaphore(%run_scoped3A : memref<!tpu.dma_semaphore, #tpu.memory_space<semaphore_mem>>) src(%arg6 : memref<16xf32, #tpu.memory_space<vmem>>) dst(%arg3 : memref<16xf32, #tpu.memory_space<hbm>>)
        tpu.yield
      }) : () -> ()
      %swap3A_205 = arith.constant 0 : index
      %swap3A_206 = tpu.vector_load %arg6[%swap3A_205] {strides = array<i32>} : memref<16xf32, #tpu.memory_space<vmem>>, vector<16xf32>,
      tpu.vector_store %arg6[%swap3A_205], %div3A_202 {strides = array<i32>} : memref<16xf32, #tpu.memory_space<vmem>>, vector<16xf32>,
      "tpu.region"() ({
        %run_scoped3A = tpu.sem_alloc : memref<!tpu.dma_semaphore, #tpu.memory_space<semaphore_mem>>
        tpu.enqueue_dma source(%arg6 : memref<16xf32, #tpu.memory_space<vmem>>) target(%arg4 : memref<16xf32, #tpu.memory_space<hbm>>) target_semaphore(%run_scoped3A : memref<!tpu.dma_semaphore, #tpu.memory_space<semaphore_mem>>)
        tpu.wait_dma2 semaphore(%run_scoped3A : memref<!tpu.dma_semaphore, #tpu.memory_space<semaphore_mem>>) src(%arg6 : memref<16xf32, #tpu.memory_space<vmem>>) dst(%arg4 : memref<16xf32, #tpu.memory_space<hbm>>)
        tpu.yield
      }) : () -> ()
    } else {
    }
    return
  }
}

module attributes {stable_mosaic.version = 14 : i64} {
  func.func @_dense_body(%arg0: i32, %arg1: memref<4096x768xf32, #tpu.memory_space<vmem>>, %arg2: memref<8x768xf32, #tpu.memory_space<vmem>>, %arg3: memref<2x4096xi32, #tpu.memory_space<vmem>>, %arg4: memref<2x4096xf32, #tpu.memory_space<vmem>>, %arg5: memref<8x1xf32, #tpu.memory_space<vmem>>, %arg6: memref<1x1xf32, #tpu.memory_space<vmem>>) attributes {dimension_semantics = [#tpu.dimension_semantics<arbitrary>], iteration_bounds = array<i64: 8>, scalar_prefetch = 0 : i64, scratch_operands = 0 : i64, tpu.core_type = #tpu.core_type<tc>, window_params = [{transform_indices = @transform_0, window_bounds = array<i64: 4096, 768>}, {pipeline_mode = #tpu.pipeline_mode<synchronous>, transform_indices = @transform_1, window_bounds = array<i64: 8, 768>}, {transform_indices = @transform_2, window_bounds = array<i64: 2, 4096>}, {transform_indices = @transform_3, window_bounds = array<i64: 2, 4096>}, {pipeline_mode = #tpu.pipeline_mode<synchronous>, transform_indices = @transform_4, window_bounds = array<i64: 8, 1>}, {pipeline_mode = #tpu.pipeline_mode<synchronous>, transform_indices = @transform_5, window_bounds = array<i64: 1, 1>}]} {
    %get3A = arith.constant 0 : index
    %get3A_0 = arith.constant 0 : index
    %get3A_1 = vector.load %arg1[%get3A, %get3A_0] : memref<4096x768xf32, #tpu.memory_space<vmem>>, vector<4096x768xf32>
    %get3A_2 = arith.constant 0 : index
    %get3A_3 = arith.constant 0 : index
    %get3A_4 = vector.load %arg2[%get3A_2, %get3A_3] : memref<8x768xf32, #tpu.memory_space<vmem>>, vector<8x768xf32>
    %dot_general3A = arith.constant dense<0.000000e+00> : vector<8x4096xf32>
    %dot_general3A_5 = tpu.matmul %get3A_4, %get3A_1, %dot_general3A {dimension_numbers = #tpu.dot_dimension_numbers<[1], [1], [0], [0], [0, 0, 1, 0], [], []>, transpose_lhs_hint = false} : vector<8x768xf32>, vector<4096x768xf32>, vector<8x4096xf32> -> vector<8x4096xf32>
    %reduce_max3A = arith.constant dense<0xFF800000> : vector<4096xf32>
    %reduce_max3A_6 = vector.multi_reduction <maximumf>, %dot_general3A_5, %reduce_max3A [0] : vector<8x4096xf32> to vector<4096xf32>
    %broadcast_in_dim3A = vector.shape_cast %reduce_max3A_6 : vector<4096xf32> to vector<1x4096xf32>
    %sub3A = vector.broadcast %broadcast_in_dim3A : vector<1x4096xf32> to vector<8x4096xf32>
    %sub3A_7 = arith.subf %dot_general3A_5, %sub3A : vector<8x4096xf32>
    %exp3A = math.exp %sub3A_7 : vector<8x4096xf32>
    %reduce_sum3A = arith.constant dense<0.000000e+00> : vector<4096xf32>
    %reduce_sum3A_8 = vector.multi_reduction <add>, %exp3A, %reduce_sum3A [0] : vector<8x4096xf32> to vector<4096xf32>
    %broadcast_in_dim3A_9 = vector.shape_cast %reduce_sum3A_8 : vector<4096xf32> to vector<1x4096xf32>
    %div3A = vector.broadcast %broadcast_in_dim3A_9 : vector<1x4096xf32> to vector<8x4096xf32>
    %div3A_10 = arith.divf %exp3A, %div3A : vector<8x4096xf32>
    %slice3A = vector.extract_strided_slice %div3A_10 {offsets = [0, 0], sizes = [1, 4096], strides = [1, 1]} : vector<8x4096xf32> to vector<1x4096xf32>
    %broadcast_in_dim3A_11 = arith.constant 0 : i32
    %broadcast_in_dim3A_12 = vector.broadcast %broadcast_in_dim3A_11 : i32 to vector<1x4096xi32>
    %slice3A_13 = vector.extract_strided_slice %div3A_10 {offsets = [1, 0], sizes = [1, 4096], strides = [1, 1]} : vector<8x4096xf32> to vector<1x4096xf32>
    %gt3A = arith.cmpf ogt, %slice3A_13, %slice3A : vector<1x4096xf32>
    %slice3A_14 = vector.extract_strided_slice %div3A_10 {offsets = [1, 0], sizes = [1, 4096], strides = [1, 1]} : vector<8x4096xf32> to vector<1x4096xf32>
    %select_n3A = arith.select %gt3A, %slice3A_14, %slice3A : vector<1x4096xi1>, vector<1x4096xf32>
    %jit3A = arith.constant 1 : i32
    %broadcast_in_dim3A_15 = vector.broadcast %jit3A : i32 to vector<1x4096xi32>
    %select_n3A_16 = arith.select %gt3A, %broadcast_in_dim3A_15, %broadcast_in_dim3A_12 : vector<1x4096xi1>, vector<1x4096xi32>
    %slice3A_17 = vector.extract_strided_slice %div3A_10 {offsets = [2, 0], sizes = [1, 4096], strides = [1, 1]} : vector<8x4096xf32> to vector<1x4096xf32>
    %gt3A_18 = arith.cmpf ogt, %slice3A_17, %select_n3A : vector<1x4096xf32>
    %slice3A_19 = vector.extract_strided_slice %div3A_10 {offsets = [2, 0], sizes = [1, 4096], strides = [1, 1]} : vector<8x4096xf32> to vector<1x4096xf32>
    %select_n3A_20 = arith.select %gt3A_18, %slice3A_19, %select_n3A : vector<1x4096xi1>, vector<1x4096xf32>
    %jit3A_21 = arith.constant 2 : i32
    %broadcast_in_dim3A_22 = vector.broadcast %jit3A_21 : i32 to vector<1x4096xi32>
    %select_n3A_23 = arith.select %gt3A_18, %broadcast_in_dim3A_22, %select_n3A_16 : vector<1x4096xi1>, vector<1x4096xi32>
    %slice3A_24 = vector.extract_strided_slice %div3A_10 {offsets = [3, 0], sizes = [1, 4096], strides = [1, 1]} : vector<8x4096xf32> to vector<1x4096xf32>
    %gt3A_25 = arith.cmpf ogt, %slice3A_24, %select_n3A_20 : vector<1x4096xf32>
    %slice3A_26 = vector.extract_strided_slice %div3A_10 {offsets = [3, 0], sizes = [1, 4096], strides = [1, 1]} : vector<8x4096xf32> to vector<1x4096xf32>
    %select_n3A_27 = arith.select %gt3A_25, %slice3A_26, %select_n3A_20 : vector<1x4096xi1>, vector<1x4096xf32>
    %jit3A_28 = arith.constant 3 : i32
    %broadcast_in_dim3A_29 = vector.broadcast %jit3A_28 : i32 to vector<1x4096xi32>
    %select_n3A_30 = arith.select %gt3A_25, %broadcast_in_dim3A_29, %select_n3A_23 : vector<1x4096xi1>, vector<1x4096xi32>
    %slice3A_31 = vector.extract_strided_slice %div3A_10 {offsets = [4, 0], sizes = [1, 4096], strides = [1, 1]} : vector<8x4096xf32> to vector<1x4096xf32>
    %gt3A_32 = arith.cmpf ogt, %slice3A_31, %select_n3A_27 : vector<1x4096xf32>
    %slice3A_33 = vector.extract_strided_slice %div3A_10 {offsets = [4, 0], sizes = [1, 4096], strides = [1, 1]} : vector<8x4096xf32> to vector<1x4096xf32>
    %select_n3A_34 = arith.select %gt3A_32, %slice3A_33, %select_n3A_27 : vector<1x4096xi1>, vector<1x4096xf32>
    %jit3A_35 = arith.constant 4 : i32
    %broadcast_in_dim3A_36 = vector.broadcast %jit3A_35 : i32 to vector<1x4096xi32>
    %select_n3A_37 = arith.select %gt3A_32, %broadcast_in_dim3A_36, %select_n3A_30 : vector<1x4096xi1>, vector<1x4096xi32>
    %slice3A_38 = vector.extract_strided_slice %div3A_10 {offsets = [5, 0], sizes = [1, 4096], strides = [1, 1]} : vector<8x4096xf32> to vector<1x4096xf32>
    %gt3A_39 = arith.cmpf ogt, %slice3A_38, %select_n3A_34 : vector<1x4096xf32>
    %slice3A_40 = vector.extract_strided_slice %div3A_10 {offsets = [5, 0], sizes = [1, 4096], strides = [1, 1]} : vector<8x4096xf32> to vector<1x4096xf32>
    %select_n3A_41 = arith.select %gt3A_39, %slice3A_40, %select_n3A_34 : vector<1x4096xi1>, vector<1x4096xf32>
    %jit3A_42 = arith.constant 5 : i32
    %broadcast_in_dim3A_43 = vector.broadcast %jit3A_42 : i32 to vector<1x4096xi32>
    %select_n3A_44 = arith.select %gt3A_39, %broadcast_in_dim3A_43, %select_n3A_37 : vector<1x4096xi1>, vector<1x4096xi32>
    %slice3A_45 = vector.extract_strided_slice %div3A_10 {offsets = [6, 0], sizes = [1, 4096], strides = [1, 1]} : vector<8x4096xf32> to vector<1x4096xf32>
    %gt3A_46 = arith.cmpf ogt, %slice3A_45, %select_n3A_41 : vector<1x4096xf32>
    %slice3A_47 = vector.extract_strided_slice %div3A_10 {offsets = [6, 0], sizes = [1, 4096], strides = [1, 1]} : vector<8x4096xf32> to vector<1x4096xf32>
    %select_n3A_48 = arith.select %gt3A_46, %slice3A_47, %select_n3A_41 : vector<1x4096xi1>, vector<1x4096xf32>
    %jit3A_49 = arith.constant 6 : i32
    %broadcast_in_dim3A_50 = vector.broadcast %jit3A_49 : i32 to vector<1x4096xi32>
    %select_n3A_51 = arith.select %gt3A_46, %broadcast_in_dim3A_50, %select_n3A_44 : vector<1x4096xi1>, vector<1x4096xi32>
    %slice3A_52 = vector.extract_strided_slice %div3A_10 {offsets = [7, 0], sizes = [1, 4096], strides = [1, 1]} : vector<8x4096xf32> to vector<1x4096xf32>
    %gt3A_53 = arith.cmpf ogt, %slice3A_52, %select_n3A_48 : vector<1x4096xf32>
    %slice3A_54 = vector.extract_strided_slice %div3A_10 {offsets = [7, 0], sizes = [1, 4096], strides = [1, 1]} : vector<8x4096xf32> to vector<1x4096xf32>
    %select_n3A_55 = arith.select %gt3A_53, %slice3A_54, %select_n3A_48 : vector<1x4096xi1>, vector<1x4096xf32>
    %jit3A_56 = arith.constant 7 : i32
    %broadcast_in_dim3A_57 = vector.broadcast %jit3A_56 : i32 to vector<1x4096xi32>
    %select_n3A_58 = arith.select %gt3A_53, %broadcast_in_dim3A_57, %select_n3A_51 : vector<1x4096xi1>, vector<1x4096xi32>
    %broadcast_in_dim3A_59 = arith.constant -1.000000e+00 : f32
    %broadcast_in_dim3A_60 = vector.broadcast %broadcast_in_dim3A_59 : f32 to vector<1x4096xf32>
    %broadcast_in_dim3A_61 = arith.constant 0 : i32
    %broadcast_in_dim3A_62 = vector.broadcast %broadcast_in_dim3A_61 : i32 to vector<1x4096xi32>
    %eq3A = arith.constant 0 : i32
    %eq3A_63 = vector.broadcast %eq3A : i32 to vector<1x4096xi32>
    %eq3A_64 = arith.cmpi eq, %select_n3A_58, %eq3A_63 : vector<1x4096xi32>
    %slice3A_65 = vector.extract_strided_slice %div3A_10 {offsets = [0, 0], sizes = [1, 4096], strides = [1, 1]} : vector<8x4096xf32> to vector<1x4096xf32>
    %jit3A_66 = arith.constant -1.000000e+00 : f32
    %broadcast_in_dim3A_67 = vector.broadcast %jit3A_66 : f32 to vector<1x4096xf32>
    %select_n3A_68 = arith.select %eq3A_64, %broadcast_in_dim3A_67, %slice3A_65 : vector<1x4096xi1>, vector<1x4096xf32>
    %gt3A_69 = arith.cmpf ogt, %select_n3A_68, %broadcast_in_dim3A_60 : vector<1x4096xf32>
    %select_n3A_70 = arith.select %gt3A_69, %select_n3A_68, %broadcast_in_dim3A_60 : vector<1x4096xi1>, vector<1x4096xf32>
    %jit3A_71 = arith.constant 0 : i32
    %broadcast_in_dim3A_72 = vector.broadcast %jit3A_71 : i32 to vector<1x4096xi32>
    %select_n3A_73 = arith.select %gt3A_69, %broadcast_in_dim3A_72, %broadcast_in_dim3A_62 : vector<1x4096xi1>, vector<1x4096xi32>
    %eq3A_74 = arith.constant 1 : i32
    %eq3A_75 = vector.broadcast %eq3A_74 : i32 to vector<1x4096xi32>
    %eq3A_76 = arith.cmpi eq, %select_n3A_58, %eq3A_75 : vector<1x4096xi32>
    %slice3A_77 = vector.extract_strided_slice %div3A_10 {offsets = [1, 0], sizes = [1, 4096], strides = [1, 1]} : vector<8x4096xf32> to vector<1x4096xf32>
    %jit3A_78 = arith.constant -1.000000e+00 : f32
    %broadcast_in_dim3A_79 = vector.broadcast %jit3A_78 : f32 to vector<1x4096xf32>
    %select_n3A_80 = arith.select %eq3A_76, %broadcast_in_dim3A_79, %slice3A_77 : vector<1x4096xi1>, vector<1x4096xf32>
    %gt3A_81 = arith.cmpf ogt, %select_n3A_80, %select_n3A_70 : vector<1x4096xf32>
    %select_n3A_82 = arith.select %gt3A_81, %select_n3A_80, %select_n3A_70 : vector<1x4096xi1>, vector<1x4096xf32>
    %jit3A_83 = arith.constant 1 : i32
    %broadcast_in_dim3A_84 = vector.broadcast %jit3A_83 : i32 to vector<1x4096xi32>
    %select_n3A_85 = arith.select %gt3A_81, %broadcast_in_dim3A_84, %select_n3A_73 : vector<1x4096xi1>, vector<1x4096xi32>
    %eq3A_86 = arith.constant 2 : i32
    %eq3A_87 = vector.broadcast %eq3A_86 : i32 to vector<1x4096xi32>
    %eq3A_88 = arith.cmpi eq, %select_n3A_58, %eq3A_87 : vector<1x4096xi32>
    %slice3A_89 = vector.extract_strided_slice %div3A_10 {offsets = [2, 0], sizes = [1, 4096], strides = [1, 1]} : vector<8x4096xf32> to vector<1x4096xf32>
    %jit3A_90 = arith.constant -1.000000e+00 : f32
    %broadcast_in_dim3A_91 = vector.broadcast %jit3A_90 : f32 to vector<1x4096xf32>
    %select_n3A_92 = arith.select %eq3A_88, %broadcast_in_dim3A_91, %slice3A_89 : vector<1x4096xi1>, vector<1x4096xf32>
    %gt3A_93 = arith.cmpf ogt, %select_n3A_92, %select_n3A_82 : vector<1x4096xf32>
    %select_n3A_94 = arith.select %gt3A_93, %select_n3A_92, %select_n3A_82 : vector<1x4096xi1>, vector<1x4096xf32>
    %jit3A_95 = arith.constant 2 : i32
    %broadcast_in_dim3A_96 = vector.broadcast %jit3A_95 : i32 to vector<1x4096xi32>
    %select_n3A_97 = arith.select %gt3A_93, %broadcast_in_dim3A_96, %select_n3A_85 : vector<1x4096xi1>, vector<1x4096xi32>
    %eq3A_98 = arith.constant 3 : i32
    %eq3A_99 = vector.broadcast %eq3A_98 : i32 to vector<1x4096xi32>
    %eq3A_100 = arith.cmpi eq, %select_n3A_58, %eq3A_99 : vector<1x4096xi32>
    %slice3A_101 = vector.extract_strided_slice %div3A_10 {offsets = [3, 0], sizes = [1, 4096], strides = [1, 1]} : vector<8x4096xf32> to vector<1x4096xf32>
    %jit3A_102 = arith.constant -1.000000e+00 : f32
    %broadcast_in_dim3A_103 = vector.broadcast %jit3A_102 : f32 to vector<1x4096xf32>
    %select_n3A_104 = arith.select %eq3A_100, %broadcast_in_dim3A_103, %slice3A_101 : vector<1x4096xi1>, vector<1x4096xf32>
    %gt3A_105 = arith.cmpf ogt, %select_n3A_104, %select_n3A_94 : vector<1x4096xf32>
    %select_n3A_106 = arith.select %gt3A_105, %select_n3A_104, %select_n3A_94 : vector<1x4096xi1>, vector<1x4096xf32>
    %jit3A_107 = arith.constant 3 : i32
    %broadcast_in_dim3A_108 = vector.broadcast %jit3A_107 : i32 to vector<1x4096xi32>
    %select_n3A_109 = arith.select %gt3A_105, %broadcast_in_dim3A_108, %select_n3A_97 : vector<1x4096xi1>, vector<1x4096xi32>
    %eq3A_110 = arith.constant 4 : i32
    %eq3A_111 = vector.broadcast %eq3A_110 : i32 to vector<1x4096xi32>
    %eq3A_112 = arith.cmpi eq, %select_n3A_58, %eq3A_111 : vector<1x4096xi32>
    %slice3A_113 = vector.extract_strided_slice %div3A_10 {offsets = [4, 0], sizes = [1, 4096], strides = [1, 1]} : vector<8x4096xf32> to vector<1x4096xf32>
    %jit3A_114 = arith.constant -1.000000e+00 : f32
    %broadcast_in_dim3A_115 = vector.broadcast %jit3A_114 : f32 to vector<1x4096xf32>
    %select_n3A_116 = arith.select %eq3A_112, %broadcast_in_dim3A_115, %slice3A_113 : vector<1x4096xi1>, vector<1x4096xf32>
    %gt3A_117 = arith.cmpf ogt, %select_n3A_116, %select_n3A_106 : vector<1x4096xf32>
    %select_n3A_118 = arith.select %gt3A_117, %select_n3A_116, %select_n3A_106 : vector<1x4096xi1>, vector<1x4096xf32>
    %jit3A_119 = arith.constant 4 : i32
    %broadcast_in_dim3A_120 = vector.broadcast %jit3A_119 : i32 to vector<1x4096xi32>
    %select_n3A_121 = arith.select %gt3A_117, %broadcast_in_dim3A_120, %select_n3A_109 : vector<1x4096xi1>, vector<1x4096xi32>
    %eq3A_122 = arith.constant 5 : i32
    %eq3A_123 = vector.broadcast %eq3A_122 : i32 to vector<1x4096xi32>
    %eq3A_124 = arith.cmpi eq, %select_n3A_58, %eq3A_123 : vector<1x4096xi32>
    %slice3A_125 = vector.extract_strided_slice %div3A_10 {offsets = [5, 0], sizes = [1, 4096], strides = [1, 1]} : vector<8x4096xf32> to vector<1x4096xf32>
    %jit3A_126 = arith.constant -1.000000e+00 : f32
    %broadcast_in_dim3A_127 = vector.broadcast %jit3A_126 : f32 to vector<1x4096xf32>
    %select_n3A_128 = arith.select %eq3A_124, %broadcast_in_dim3A_127, %slice3A_125 : vector<1x4096xi1>, vector<1x4096xf32>
    %gt3A_129 = arith.cmpf ogt, %select_n3A_128, %select_n3A_118 : vector<1x4096xf32>
    %select_n3A_130 = arith.select %gt3A_129, %select_n3A_128, %select_n3A_118 : vector<1x4096xi1>, vector<1x4096xf32>
    %jit3A_131 = arith.constant 5 : i32
    %broadcast_in_dim3A_132 = vector.broadcast %jit3A_131 : i32 to vector<1x4096xi32>
    %select_n3A_133 = arith.select %gt3A_129, %broadcast_in_dim3A_132, %select_n3A_121 : vector<1x4096xi1>, vector<1x4096xi32>
    %eq3A_134 = arith.constant 6 : i32
    %eq3A_135 = vector.broadcast %eq3A_134 : i32 to vector<1x4096xi32>
    %eq3A_136 = arith.cmpi eq, %select_n3A_58, %eq3A_135 : vector<1x4096xi32>
    %slice3A_137 = vector.extract_strided_slice %div3A_10 {offsets = [6, 0], sizes = [1, 4096], strides = [1, 1]} : vector<8x4096xf32> to vector<1x4096xf32>
    %jit3A_138 = arith.constant -1.000000e+00 : f32
    %broadcast_in_dim3A_139 = vector.broadcast %jit3A_138 : f32 to vector<1x4096xf32>
    %select_n3A_140 = arith.select %eq3A_136, %broadcast_in_dim3A_139, %slice3A_137 : vector<1x4096xi1>, vector<1x4096xf32>
    %gt3A_141 = arith.cmpf ogt, %select_n3A_140, %select_n3A_130 : vector<1x4096xf32>
    %select_n3A_142 = arith.select %gt3A_141, %select_n3A_140, %select_n3A_130 : vector<1x4096xi1>, vector<1x4096xf32>
    %jit3A_143 = arith.constant 6 : i32
    %broadcast_in_dim3A_144 = vector.broadcast %jit3A_143 : i32 to vector<1x4096xi32>
    %select_n3A_145 = arith.select %gt3A_141, %broadcast_in_dim3A_144, %select_n3A_133 : vector<1x4096xi1>, vector<1x4096xi32>
    %eq3A_146 = arith.constant 7 : i32
    %eq3A_147 = vector.broadcast %eq3A_146 : i32 to vector<1x4096xi32>
    %eq3A_148 = arith.cmpi eq, %select_n3A_58, %eq3A_147 : vector<1x4096xi32>
    %slice3A_149 = vector.extract_strided_slice %div3A_10 {offsets = [7, 0], sizes = [1, 4096], strides = [1, 1]} : vector<8x4096xf32> to vector<1x4096xf32>
    %jit3A_150 = arith.constant -1.000000e+00 : f32
    %broadcast_in_dim3A_151 = vector.broadcast %jit3A_150 : f32 to vector<1x4096xf32>
    %select_n3A_152 = arith.select %eq3A_148, %broadcast_in_dim3A_151, %slice3A_149 : vector<1x4096xi1>, vector<1x4096xf32>
    %gt3A_153 = arith.cmpf ogt, %select_n3A_152, %select_n3A_142 : vector<1x4096xf32>
    %select_n3A_154 = arith.select %gt3A_153, %select_n3A_152, %select_n3A_142 : vector<1x4096xi1>, vector<1x4096xf32>
    %jit3A_155 = arith.constant 7 : i32
    %broadcast_in_dim3A_156 = vector.broadcast %jit3A_155 : i32 to vector<1x4096xi32>
    %select_n3A_157 = arith.select %gt3A_153, %broadcast_in_dim3A_156, %select_n3A_145 : vector<1x4096xi1>, vector<1x4096xi32>
    %add3A = arith.addf %select_n3A_55, %select_n3A_154 : vector<1x4096xf32>
    %concatenate3A = tpu.concatenate %select_n3A_58, %select_n3A_157 in 0 : vector<1x4096xi32>, vector<1x4096xi32> -> vector<2x4096xi32>
    %swap3A = arith.constant 0 : index
    %swap3A_158 = arith.constant 0 : index
    %swap3A_159 = vector.load %arg3[%swap3A, %swap3A_158] : memref<2x4096xi32, #tpu.memory_space<vmem>>, vector<2x4096xi32>
    tpu.vector_store %arg3[%swap3A, %swap3A_158], %concatenate3A {strides = array<i32>} : memref<2x4096xi32, #tpu.memory_space<vmem>>, vector<2x4096xi32>,
    %div3A_160 = arith.divf %select_n3A_55, %add3A : vector<1x4096xf32>
    %div3A_161 = arith.divf %select_n3A_154, %add3A : vector<1x4096xf32>
    %concatenate3A_162 = tpu.concatenate %div3A_160, %div3A_161 in 0 : vector<1x4096xf32>, vector<1x4096xf32> -> vector<2x4096xf32>
    %swap3A_163 = arith.constant 0 : index
    %swap3A_164 = arith.constant 0 : index
    %swap3A_165 = vector.load %arg4[%swap3A_163, %swap3A_164] : memref<2x4096xf32, #tpu.memory_space<vmem>>, vector<2x4096xf32>
    tpu.vector_store %arg4[%swap3A_163, %swap3A_164], %concatenate3A_162 {strides = array<i32>} : memref<2x4096xf32, #tpu.memory_space<vmem>>, vector<2x4096xf32>,
    %reduce_sum3A_166 = arith.constant dense<0.000000e+00> : vector<8xf32>
    %reduce_sum3A_167 = vector.multi_reduction <add>, %div3A_10, %reduce_sum3A_166 [1] : vector<8x4096xf32> to vector<8xf32>
    %broadcast_in_dim3A_168 = vector.shape_cast %reduce_sum3A_167 : vector<8xf32> to vector<8x1xf32>
    %add3A_169 = arith.constant 1.000000e-10 : f32
    %add3A_170 = vector.broadcast %add3A_169 : f32 to vector<8x4096xf32>
    %add3A_171 = arith.addf %div3A_10, %add3A_170 : vector<8x4096xf32>
    %log3A = math.log %add3A_171 : vector<8x4096xf32>
    %mul3A = arith.mulf %div3A_10, %log3A : vector<8x4096xf32>
    %reduce_sum3A_172 = vector.shape_cast %mul3A : vector<8x4096xf32> to vector<1x8x4096xf32>
    %reduce_sum3A_173 = arith.constant dense<0.000000e+00> : vector<1xf32>
    %reduce_sum3A_174 = vector.multi_reduction <add>, %reduce_sum3A_172, %reduce_sum3A_173 [1, 2] : vector<1x8x4096xf32> to vector<1xf32>
    %reduce_sum3A_175 = vector.shape_cast %reduce_sum3A_174 : vector<1xf32> to vector<1x1x1xf32>
    %reduce_sum3A_176 = vector.extract %reduce_sum3A_175[0, 0, 0] : f32 from vector<1x1x1xf32>
    %reshape3A = vector.broadcast %reduce_sum3A_176 : f32 to vector<1x1xf32>
    %neg3A = arith.constant 0.000000e+00 : f32
    %neg3A_177 = vector.broadcast %neg3A : f32 to vector<1x1xf32>
    %neg3A_178 = arith.subf %neg3A_177, %reshape3A : vector<1x1xf32>
    %eq3A_179 = arith.constant 0 : i32
    %eq3A_180 = arith.cmpi eq, %arg0, %eq3A_179 : i32
    %convert_element_type3A = arith.extui %eq3A_180 : i1 to i32
    %cond3A = arith.constant 0 : i32
    %cond3A_181 = arith.cmpi ne, %convert_element_type3A, %cond3A : i32
    scf.if %cond3A_181 {
      %swap3A_192 = arith.constant 0 : index
      %swap3A_193 = arith.constant 0 : index
      %swap3A_194 = vector.load %arg5[%swap3A_192, %swap3A_193] : memref<8x1xf32, #tpu.memory_space<vmem>>, vector<8x1xf32>
      tpu.vector_store %arg5[%swap3A_192, %swap3A_193], %broadcast_in_dim3A_168 {strides = array<i32>} : memref<8x1xf32, #tpu.memory_space<vmem>>, vector<8x1xf32>,
      %swap3A_195 = arith.constant 0 : index
      %swap3A_196 = arith.constant 0 : index
      %swap3A_197 = vector.load %arg6[%swap3A_195, %swap3A_196] : memref<1x1xf32, #tpu.memory_space<vmem>>, vector<1x1xf32>
      tpu.vector_store %arg6[%swap3A_195, %swap3A_196], %neg3A_178 {strides = array<i32>} : memref<1x1xf32, #tpu.memory_space<vmem>>, vector<1x1xf32>,
    } else {
    }
    %gt3A_182 = arith.constant 0 : i32
    %gt3A_183 = arith.cmpi sgt, %arg0, %gt3A_182 : i32
    %convert_element_type3A_184 = arith.extui %gt3A_183 : i1 to i32
    %cond3A_185 = arith.constant 0 : i32
    %cond3A_186 = arith.cmpi ne, %convert_element_type3A_184, %cond3A_185 : i32
    scf.if %cond3A_186 {
      %get3A_192 = arith.constant 0 : index
      %get3A_193 = arith.constant 0 : index
      %get3A_194 = vector.load %arg5[%get3A_192, %get3A_193] : memref<8x1xf32, #tpu.memory_space<vmem>>, vector<8x1xf32>
      %add3A_195 = arith.addf %get3A_194, %broadcast_in_dim3A_168 : vector<8x1xf32>
      %swap3A_196 = arith.constant 0 : index
      %swap3A_197 = arith.constant 0 : index
      %swap3A_198 = vector.load %arg5[%swap3A_196, %swap3A_197] : memref<8x1xf32, #tpu.memory_space<vmem>>, vector<8x1xf32>
      tpu.vector_store %arg5[%swap3A_196, %swap3A_197], %add3A_195 {strides = array<i32>} : memref<8x1xf32, #tpu.memory_space<vmem>>, vector<8x1xf32>,
      %get3A_199 = arith.constant 0 : index
      %get3A_200 = arith.constant 0 : index
      %get3A_201 = vector.load %arg6[%get3A_199, %get3A_200] : memref<1x1xf32, #tpu.memory_space<vmem>>, vector<1x1xf32>
      %add3A_202 = arith.addf %get3A_201, %neg3A_178 : vector<1x1xf32>
      %swap3A_203 = arith.constant 0 : index
      %swap3A_204 = arith.constant 0 : index
      %swap3A_205 = vector.load %arg6[%swap3A_203, %swap3A_204] : memref<1x1xf32, #tpu.memory_space<vmem>>, vector<1x1xf32>
      tpu.vector_store %arg6[%swap3A_203, %swap3A_204], %add3A_202 {strides = array<i32>} : memref<1x1xf32, #tpu.memory_space<vmem>>, vector<1x1xf32>,
    } else {
    }
    %eq3A_187 = arith.constant 7 : i32
    %eq3A_188 = arith.cmpi eq, %arg0, %eq3A_187 : i32
    %convert_element_type3A_189 = arith.extui %eq3A_188 : i1 to i32
    %cond3A_190 = arith.constant 0 : i32
    %cond3A_191 = arith.cmpi ne, %convert_element_type3A_189, %cond3A_190 : i32
    scf.if %cond3A_191 {
      %get3A_192 = arith.constant 0 : index
      %get3A_193 = arith.constant 0 : index
      %get3A_194 = vector.load %arg5[%get3A_192, %get3A_193] : memref<8x1xf32, #tpu.memory_space<vmem>>, vector<8x1xf32>
      %div3A_195 = arith.constant 3.276800e+04 : f32
      %div3A_196 = vector.broadcast %div3A_195 : f32 to vector<8x1xf32>
      %div3A_197 = arith.divf %get3A_194, %div3A_196 : vector<8x1xf32>
      %swap3A_198 = arith.constant 0 : index
      %swap3A_199 = arith.constant 0 : index
      %swap3A_200 = vector.load %arg5[%swap3A_198, %swap3A_199] : memref<8x1xf32, #tpu.memory_space<vmem>>, vector<8x1xf32>
      tpu.vector_store %arg5[%swap3A_198, %swap3A_199], %div3A_197 {strides = array<i32>} : memref<8x1xf32, #tpu.memory_space<vmem>>, vector<8x1xf32>,
      %get3A_201 = arith.constant 0 : index
      %get3A_202 = arith.constant 0 : index
      %get3A_203 = vector.load %arg6[%get3A_201, %get3A_202] : memref<1x1xf32, #tpu.memory_space<vmem>>, vector<1x1xf32>
      %div3A_204 = arith.constant 3.276800e+04 : f32
      %div3A_205 = vector.broadcast %div3A_204 : f32 to vector<1x1xf32>
      %div3A_206 = arith.divf %get3A_203, %div3A_205 : vector<1x1xf32>
      %swap3A_207 = arith.constant 0 : index
      %swap3A_208 = arith.constant 0 : index
      %swap3A_209 = vector.load %arg6[%swap3A_207, %swap3A_208] : memref<1x1xf32, #tpu.memory_space<vmem>>, vector<1x1xf32>
      tpu.vector_store %arg6[%swap3A_207, %swap3A_208], %div3A_206 {strides = array<i32>} : memref<1x1xf32, #tpu.memory_space<vmem>>, vector<1x1xf32>,
    } else {
    }
    return
  }
  func.func @transform_0(%arg0: i32) -> (i32, i32) {
    %c0_i32 = arith.constant 0 : i32
    %c0_i32_0 = arith.constant 0 : i32
    return %arg0, %c0_i32 : i32, i32
  }
  func.func @transform_1(%arg0: i32) -> (i32, i32) {
    %c0_i32 = arith.constant 0 : i32
    %c0_i32_0 = arith.constant 0 : i32
    %c0_i32_1 = arith.constant 0 : i32
    return %c0_i32, %c0_i32_0 : i32, i32
  }
  func.func @transform_2(%arg0: i32) -> (i32, i32) {
    %c0_i32 = arith.constant 0 : i32
    %c0_i32_0 = arith.constant 0 : i32
    return %c0_i32, %arg0 : i32, i32
  }
  func.func @transform_3(%arg0: i32) -> (i32, i32) {
    %c0_i32 = arith.constant 0 : i32
    %c0_i32_0 = arith.constant 0 : i32
    return %c0_i32, %arg0 : i32, i32
  }
  func.func @transform_4(%arg0: i32) -> (i32, i32) {
    %c0_i32 = arith.constant 0 : i32
    %c0_i32_0 = arith.constant 0 : i32
    %c0_i32_1 = arith.constant 0 : i32
    return %c0_i32, %c0_i32_0 : i32, i32
  }
  func.func @transform_5(%arg0: i32) -> (i32, i32) {
    %c0_i32 = arith.constant 0 : i32
    %c0_i32_0 = arith.constant 0 : i32
    %c0_i32_1 = arith.constant 0 : i32
    return %c0_i32, %c0_i32_0 : i32, i32
  }
}

</mosaic_0001>

<sc_bundles>
// kernel: _router.4.cloned.1.call-start
scs
__scs_entry_jumppad:
0x0: {  	(pc) =	sbr.rel $0x88, $3  }
0x1: {  	(tag) =	ssettag $0x0;
	lr =	simm.s32 $0x1  }
0x2: {  	[smem:$0x3F9F] =	sst lr;
	_ =	strace $0xD0000000  }
0x3: {  	_ = 	snop  }
0x4: {  	_ = 	snop  }
0x5: {  	_ = 	snop  }
0x6: {  	_ = 	snop  }
0x7: {  	_ = 	snop  }
__scs_overlays_trampoline_lowered:
0x8: {  	[smem:$0x3FAE] =	sst s0  }
0x9: {  	[smem:$0x3FAF] =	sst s1  }
0xa: {  	[smem:$0x3FB0] =	sst s2  }
0xb: {  	[smem:$0x3FB1] =	sst s3  }
0xc: {  	[smem:$0x3FB2] =	sst s4  }
0xd: {  	[smem:$0x3FB3] =	sst s5  }
0xe: {  	[smem:$0x3FB4] =	sst s6  }
0xf: {  	[smem:$0x3FB5] =	sst s7  }
0x10: {  	[smem:$0x3FB6] =	sst s8  }
0x11: {  	[smem:$0x3FB7] =	sst s9;
	s0 =	simm.s32 @!p0 $0x0  }
0x12: {  	s1 =	sld [smem:$0x3F9D];
	s0 =	simm.s32 @p0 $0x1  }
0x13: {  	[smem:$0x3FB8] =	sst s0;
	s0 =	simm.s32 @!p1 $0x0  }
0x14: {  	s2 =	sld [smem:$0x3F9C];
	s0 =	simm.s32 @p1 $0x1  }
0x15: {  	[smem:$0x3FB9] =	sst s0;
	s0 =	simm.s32 @!p2 $0x0  }
0x16: {  	s3 =	sld [smem:$0x3FDB];
	s0 =	simm.s32 @p2 $0x1  }
0x17: {  	s4 =	simm.s32 $0x1BF5;
	[smem:$0x3FBB] =	sst s0  }
0x18: {  	s0 =	sld [smem:$0x3F9E];
	_ =	swait.ge [sflag:s4], $0x0  }
0x19: {  	s7 =	sld [smem:$0x3F9F]  }
0x1a: {  	s8 =	sadd.s32 $0xFFFFE003, lr  }
0x1b: {  	s9 =	sadd.s32 $0xFFFFFEF7, lr;
	s5 =	simm.s32 $0xFFFFFFFF;
	p2 =	slt.u32 s8, $0xFFFFF086  }
0x1c: {  	p1 =	slt.u32 s9, $0xF7A;
	s5 =	simm.s32 @!p2 $0x0  }
0x1d: {  	s5 =	simm.s32 @p1 $0x1;
	p0 =	seq.s32 s7, s2  }
0x1e: {  	s7 =	smul.u32 @!p0 $0xF7A, s2;
	p2 =	seq.s32 @!p0 s5, $0x0  }
0x1f: {  	s9 =	smul.u32 $0xF7A, s1;
	s8 =	simm.s32 @!p0 $0x1BF5;
	p2 =	por !p2, p0  }
0x20: {  	[sflag:s8] =	ssyncset.s32 @!p0 $0xFFFFF086;
	s6 =	sadd.s32 @!p0 s3, s7;
	s7 =	simm.s32 @!p0 $0x108  }
0x21: {  	s3 =	sadd.s32 s3, s9;
	s6 =	sadd.s32 @!p0 $0x88, s6;
	s7 =	simm.s32 @p2 $0x1082  }
0x22: {  	[simem:s7], [sflag:s8] =	dma.local @!p0 [hbm:s6], $0xF7A  }
0x23: {  	s9 =	sor.u32 $0xD0000000, s2;
	s6 =	simm.s32 $0x108;
	_ =	swait.ge @!p0 [sflag:s8], $0x0  }
0x24: {  	s3 =	sadd.s32 $0x88, s3;
	s6 =	simm.s32 @!p1 $0x1082;
	[sflag:s4] =	ssyncset.s32 $0xFFFFF086  }
0x25: {  	[simem:s6], [sflag:s4] =	dma.local [hbm:s3], $0xF7A  }
0x26: {  	[smem:$0x3F9F] =	sst s1;
	(tag) =	ssettag s2;
	_ =	strace s9  }
0x27: {  	s1 =	sld [smem:$0x3FAF]  }
0x28: {  	s2 =	sld [smem:$0x3FB0]  }
0x29: {  	s4 =	sld [smem:$0x3FB2]  }
0x2a: {  	p0 =	seq.s32 s5, $0x0;
	s5 =	sld [smem:$0x3FB3]  }
0x2b: {  	s6 =	sld [smem:$0x3FB4]  }
0x2c: {  	s7 =	sld [smem:$0x3FB5]  }
0x2d: {  	s3 =	simm.s32 $0x108;
	s8 =	sld [smem:$0x3FB6]  }
0x2e: {  	s3 =	simm.s32 @!p0 $0x1082;
	s9 =	sld [smem:$0x3FB7]  }
0x2f: {  	lr =	sadd.s32 s0, s3;
	s0 =	sld [smem:$0x3FAE]  }
0x30: {  	s3 =	sld [smem:$0x3FB1]  }
0x31: {  	[smem:$0x3FBA] =	sst s10  }
0x32: {  	s10 =	sld [smem:$0x3FB8];
	_ =	sdelay $0x3  }
0x33: {  	p0 =	seq.s32 s10, $0x1;
	s10 =	sld [smem:$0x3FBA];
	_ =	sdelay $0x3  }
0x34: {  	[smem:$0x3FBA] =	sst s10  }
0x35: {  	s10 =	sld [smem:$0x3FB9];
	_ =	sdelay $0x3  }
0x36: {  	p1 =	seq.s32 s10, $0x1;
	s10 =	sld [smem:$0x3FBA];
	_ =	sdelay $0x3  }
0x37: {  	[smem:$0x3FBA] =	sst s10  }
0x38: {  	s10 =	sld [smem:$0x3FBB]  }
0x39: {  	_ = 	snop;
	(pc) =	sbr.ind lr, $3  }
0x3a: {  	_ = 	snop  }
0x3b: {  	_ = 	snop  }
0x3c: {  	p2 =	seq.s32 s10, $0x1;
	s10 =	sld [smem:$0x3FBA]  }
0x3d: {  	_ =	shalt  }
0x3e: {  	_ =	shalt  }
0x3f: {  	_ =	shalt  }
0x40: {  	_ =	shalt  }
0x41: {  	_ =	shalt  }
0x42: {  	_ =	shalt  }
0x43: {  	_ =	shalt  }
0x44: {  	_ =	shalt  }
0x45: {  	_ =	shalt  }
0x46: {  	_ =	shalt  }
0x47: {  	_ =	shalt  }
0x48: {  	_ =	shalt  }
0x49: {  	_ =	shalt  }
0x4a: {  	_ =	shalt  }
0x4b: {  	_ =	shalt  }
0x4c: {  	_ =	shalt  }
0x4d: {  	_ =	shalt  }
0x4e: {  	_ =	shalt  }
0x4f: {  	_ =	shalt  }
0x50: {  	_ =	shalt  }
0x51: {  	_ =	shalt  }
0x52: {  	_ =	shalt  }
0x53: {  	_ =	shalt  }
0x54: {  	_ =	shalt  }
0x55: {  	_ =	shalt  }
0x56: {  	_ =	shalt  }
0x57: {  	_ =	shalt  }
0x58: {  	_ =	shalt  }
0x59: {  	_ =	shalt  }
0x5a: {  	_ =	shalt  }
0x5b: {  	_ =	shalt  }
0x5c: {  	_ =	shalt  }
0x5d: {  	_ =	shalt  }
0x5e: {  	_ =	shalt  }
0x5f: {  	_ =	shalt  }
0x60: {  	_ =	shalt  }
0x61: {  	_ =	shalt  }
0x62: {  	_ =	shalt  }
0x63: {  	_ =	shalt  }
0x64: {  	_ =	shalt  }
0x65: {  	_ =	shalt  }
0x66: {  	_ =	shalt  }
0x67: {  	_ =	shalt  }
0x68: {  	_ =	shalt  }
0x69: {  	_ =	shalt  }
0x6a: {  	_ =	shalt  }
0x6b: {  	_ =	shalt  }
0x6c: {  	_ =	shalt  }
0x6d: {  	_ =	shalt  }
0x6e: {  	_ =	shalt  }
0x6f: {  	_ =	shalt  }
0x70: {  	_ =	shalt  }
0x71: {  	_ =	shalt  }
0x72: {  	_ =	shalt  }
0x73: {  	_ =	shalt  }
0x74: {  	_ =	shalt  }
0x75: {  	_ =	shalt  }
0x76: {  	_ =	shalt  }
0x77: {  	_ =	shalt  }
0x78: {  	_ =	shalt  }
0x79: {  	_ =	shalt  }
0x7a: {  	_ =	shalt  }
0x7b: {  	_ =	shalt  }
0x7c: {  	_ =	shalt  }
0x7d: {  	_ =	shalt  }
0x7e: {  	_ =	shalt  }
0x7f: {  	_ =	shalt  }
0x80: {  	_ =	shalt  }
0x81: {  	_ =	shalt  }
0x82: {  	_ =	shalt  }
0x83: {  	_ =	shalt  }
0x84: {  	_ =	shalt  }
0x85: {  	_ =	shalt  }
0x86: {  	_ =	shalt  }
0x87: {  	_ =	shalt  }
.Lfunc_end0:
.L_simem_size_0:
called_computation_lowered:
.L_overlay_start_0:
0x88: {  	s0 =	sld [smem:$0x3FD9]  }
0x89: {  	s1 =	sld [smem:$0x3FFE];
	_ =	sdelay $0x3  }
0x8a: {  	s0 =	sadd.s32 s1, s0  }
0x8b: {  	[smem:$0x3FC6] =	sst s0  }
0x8c: {  	_ = 	snop  }
0x8d: {  	s0 =	sld [smem:$0x3FD0];
	_ =	sdelay $0x2  }
0x8e: {  	s14 =	simm.s32 $0xA;
	s2 =	simm.s32 $0x10  }
0x8f: {  	[smem:s2], [sflag:s14] =	dma.local [hbm:s0], $0x1  }
0x90: {  	_ =	swait.eq [sflag:s14], $0x1  }
0x91: {  	s15 =	sld [smem:$0x10];
	[sflag:s14] =	ssyncset.done $0x0  }
0x92: {  	s16 =	sld [smem:$0x12];
	[sflag:s14] =	ssyncadd.s32 $0xFFFFFFFF  }
0x93: {  	s17 =	sld [smem:$0x15];
	(tm) =	ssettm $0x1  }
0x94: {  	s3 =	sld [smem:$0x3FFB];
	_ =	sdelay $0x3  }
0x95: {  	_ =	strace s3  }
0x96: {  	s3 =	sld [smem:$0x3FFC];
	_ =	sdelay $0x3  }
0x97: {  	_ =	strace s3  }
0x98: {  	s3 =	sld [smem:$0x3FFD];
	_ =	sdelay $0x3  }
0x99: {  	_ =	strace s3  }
0x9a: {  	_ =	strace $0x8FFFFFFF  }
0x9b: {  	s18 =	sld [smem:$0x3FDB];
	_ =	sdelay $0x1  }
0x9c: {  	s4 =	simm.s32 $_scs_section_size  }
0x9d: {  	s5 =	simm.s32 $_size__tile_overlayer_lowered;
	s6 =	simm.s32 $_tile_overlayer_lowered  }
0x9e: {  	s21 =	simm.s32 $0x1BFF;
	s20 =	sshll.u32 s6, $0x1;
	s3 =	sadd.s32 s4, s18  }
0x9f: {  	s7 =	simm.s32 $0x0;
	s19 =	sshll.u32 s5, $0x1;
	s5 =	sadd.s32 s20, s3  }
0xa0: {  	[timem:s7], [sflag:s21] =	dma.local [hbm:s5], s19  }
0xa1: {  	_ =	swait.ge [sflag:s21], s19  }
0xa2: {  	s4 =	ssub.s32 $0x0, s19;
	[sflag:s21] =	ssyncset.done $0x0  }
0xa3: {  	[sflag:s21] =	ssyncadd.s32 s4;
	_ =	sdelay $0x1  }
0xa4: {  	s22 =	simm.s32 $0x1B8B  }
0xa5: {  	_ =	swait.ge [sflag:s22], $0x1  }
0xa6: {  	[sflag:s22] =	ssyncset.done $0x0  }
0xa7: {  	s23 =	simm.s32 $0x1B8E;
	[sflag:s22] =	ssyncadd.s32 $0xFFFFFFFF  }
0xa8: {  	s24 =	simm.s32 $execute0_lowered;
	[smem:$0x3FD2] =	sst s23  }
0xa9: {  	s4 =	sshll.u32 s24, $0x1;
	_ =	strace $0x80000046;
	[dreg:$0x1] =	wrdreg $0xFFFFFFFF  }
0xaa: {  	s25 =	simm.s32 $_size_execute0_lowered;
	s3 =	sadd.s32 s3, s4;
	[dreg:$0x0] =	wrdreg $0x0  }
0xab: {  	s4 =	sshll.u32 s25, $0x1;
	[dreg:$0x2] =	wrdreg s3  }
0xac: {  	[dreg:$0x3] =	wrdreg s4  }
0xad: {  	[dreg:$0x4] =	wrdreg $0xC0  }
0xae: {  	_ =	task [dreg:s7], $0x5FFFF  }
0xaf: {  	[dreg:$0x1] =	wrdreg $0xFFFFFFFF  }
0xb0: {  	[dreg:$0x0] =	wrdreg $0x60  }
0xb1: {  	[dreg:$0x2] =	wrdreg s15  }
0xb2: {  	[dreg:$0x3] =	wrdreg s16  }
0xb3: {  	[dreg:$0x4] =	wrdreg s17  }
0xb4: {  	[dreg:$0x5] =	wrdreg $0x10800  }
0xb5: {  	[dreg:$0x6] =	wrdreg $0x9  }
0xb6: {  	_ =	task.clear_ibuf [dreg:s7], $0x7FFFF;
	_ =	strace $0x90000046  }
0xb7: {  	s26 =	simm.s32 $0x9;
	_ =	strace $0x80000048  }
0xb8: {  	_ =	swait.ge [sflag:s26], $0x1  }
0xb9: {  	[sflag:s26] =	ssyncadd.s32 $0xFFFFFFFF  }
0xba: {  	_ =	strace $0x90000048  }
0xbb: {  	_ =	sfence  }
0xbc: {  	s28 =	sld [smem:$0x0];
	_ =	sdelay $0x1  }
0xbd: {  	s29 =	srdreg.scid  }
0xbe: {  	s30 =	sshll.u32 s29, $0xD;
	s31 =	sshrl.u32 s29, $0x2  }
0xbf: {  	s1 =	sand.u32 $0x1, s29;
	s2 =	sand.u32 $0x4000, s30;
	s0 =	sadd.s32 s31, s28  }
0xc0: {  	s1 =	sor.u32 s2, s1;
	s0 =	sshll.u32 s0, $0x11  }
0xc1: {  	s0 =	sor.u32 s0, s1  }
0xc2: {  	s0 =	sadd.s32 $0x8F2B, s0  }
0xc3: {  	[sflag:s0] =	ssyncadd.remote.s32 $0x1  }
0xc4: {  	_ =	sfence.sel $0xFFFF  }
0xc5: {  	[dreg:$0x0] =	wrdreg $0xFFFFFFFF;
	(pc) =	sbr.abs _section_cstart, $3  }
0xc6: {  	[dreg:$0x1] =	wrdreg $0xFFFFFFFF  }
0xc7: {  	_ =	task.clear_ibuf [dreg:s7], $0x2FFFF;
	_ =	strace $0x9FFFFFFF  }
0xc8: {  	(tm) =	ssettm $0x7FFFFFFF  }
0xc9: {  	_ =	shalt  }
tec
execute0_lowered:
.L_overlay_start_1:
0x0: {  	(tag) =	ssettag $0x1  }
0x1: {  	s5 =	rddreg [dreg:$0x0]  }
0x2: {  	s2 =	rddreg [dreg:$0x1]  }
0x3: {  	s1 =	rddreg [dreg:$0x2]  }
0x4: {  	s3 =	rddreg [dreg:$0x3]  }
0x5: {  	s4 =	stileid.u32;
	s0 =	rddreg [dreg:$0x4]  }
0x6: {  	s6 =	simm.s32 $0x0;
	s28 =	simm.s32 $0x80;
	s7 =	sshll.u32 s4, $0x1  }
0x7: {  	s29 =	simm.s32 $0x100;
	s8 =	sshll.u32 s4, $0xA;
	s7 =	sand.u32 $0x10, s7  }
0x8: {  	[smem:$0x7FF] =	sst s6;
	s8 =	sand.u32 $0x1C00, s8;
	s5 =	sadd.s32 s5, s7  }
0x9: {  	s30 =	simm.s32 $0x1;
	_ =	strace $0x80000047;
	s5 =	sadd.s32 s8, s5  }
0xa: {  	[tilespmem:s6], [sflag:$0x1] =	stream.strided.gather [hbm4b:s5+s28], $0x1000, s29, s28, $0x38;
	[tilespmem:$0x1190] =	vst v63  }
0xb: {  	_ =	swait.ge [sflag:s30], $0x1000  }
0xc: {  	[sflag:s30] =	ssyncset.done $0x0  }
0xd: {  	s31 =	simm.s32 $0x0;
	[sflag:s30] =	ssyncadd.s32 $0xFFFFF000  }
0xe: {  	v1 =	vld [tilespmem:s31+$0x30];
	_ =	sdelay $0x1  }
0xf: {  	v2 =	vld [tilespmem:s31+$0x20];
	_ =	sdelay $0x1  }
0x10: {  	v0 =	vimm.f32 $0.0e+00  }
0x11: {  	v4 =	vimm.s32 $0x0;
	v3 =	vld [tilespmem:s31+$0x10];
	vm0 =	veq.s32 v1, $0x0;
	vm1 =	veq.s32 v1, $0x1  }
0x12: {  	vm2 =	veq.s32 v1, $0x2;
	vm3 =	veq.s32 v1, $0x3;
	vm4 =	veq.s32 v1, $0x4  }
0x13: {  	vm5 =	veq.s32 v1, $0x5;
	vm6 =	veq.s32 v1, $0x6;
	vm7 =	veq.s32 v2, $0x1  }
0x14: {  	vm14 =	veq.s32 v1, $0x7;
	vm8 =	veq.s32 v2, $0x2;
	vm10 =	veq.s32 v2, $0x3  }
0x15: {  	vm11 =	veq.s32 v2, $0x4;
	v1 =	vimm.s32 $0x0;
	vm15 =	veq.s32 v2, $0x7  }
0x16: {  	vm12 =	veq.s32 v3, $0x1;
	vm9 =	veq.s32 v3, $0x3;
	v4 =	vsel vm6, $0xFFFFFFFF, v4  }
0x17: {  	vm6 =	veq.s32 v2, $0x0;
	v9 =	vsel vm0, $0x3F800000, v0;
	vm0 =	veq.s32 v2, $0x5  }
0x18: {  	v11 =	vsel vm1, $0x3F800000, v0;
	vm1 =	veq.s32 v2, $0x6;
	v12 =	vsel vm2, $0x3F800000, v0  }
0x19: {  	v10 =	vsel vm3, $0x3F800000, v0;
	vm2 =	veq.s32 v3, $0x2;
	v14 =	vsel vm7, $0x3F800000, v0  }
0x1a: {  	v2 =	vsel vm5, $0x3F800000, v0;
	vm7 =	veq.s32 v3, $0x4;
	v15 =	vsel vm8, $0x3F800000, v0;
	[tilespmem:$0x1FFE0] =	vst v4;
	v4 =	vld [tilespmem:s31+$0x0]  }
0x1b: {  	v16 =	vsel vm10, $0x3F800000, v0;
	v7 =	vsel vm11, $0x3F800000, v0;
	vm5 =	veq.s32 v3, $0x7  }
0x1c: {  	v18 =	vsel vm12, $0x3F800000, v0;
	v1 =	vsel vm1, $0xFFFFFFFF, v1;
	vm1 =	veq.s32 v3, $0x0  }
0x1d: {  	v13 =	vsel vm6, $0x3F800000, v0;
	vm6 =	veq.s32 v3, $0x6;
	v8 =	vsel vm0, $0x3F800000, v0  }
0x1e: {  	v19 =	vsel vm2, $0x3F800000, v0;
	[tilespmem:$0x1FFF0] =	vst v1;
	v1 =	vsel vm4, $0x3F800000, v0;
	vm4 =	veq.s32 v3, $0x5  }
0x1f: {  	v17 =	vsel vm1, $0x3F800000, v0;
	vm3 =	veq.s32 v4, $0x0;
	vm1 =	veq.s32 v4, $0x1  }
0x20: {  	vm0 =	veq.s32 v4, $0x2;
	vm12 =	veq.s32 v4, $0x4;
	vm11 =	veq.s32 v4, $0x5  }
0x21: {  	vm10 =	veq.s32 v4, $0x6;
	vm8 =	veq.s32 v4, $0x7;
	v3 =	vsel vm3, $0x3F800000, v0  }
0x22: {  	vm3 =	veq.s32 v4, $0x3;
	v5 =	vsel vm1, $0x3F800000, v0;
	v6 =	vsel vm0, $0x3F800000, v0  }
0x23: {  	v4 =	vimm.f32 $0.0e+00;
	v21 =	vsel vm3, $0x3F800000, v0;
	v22 =	vadd.f32 v3, v0  }
0x24: {  	v23 =	vadd.f32 v5, v0;
	v20 =	vadd.f32 v6, v0;
	v6 =	vimm.f32 $0.0e+00  }
0x25: {  	s5 =	simm.s32 $0x100;
	v5 =	vimm.f32 $0.0e+00;
	v3 =	vimm.f32 $0.0e+00;
	v21 =	vadd.f32 v21, v0  }
.LBB2_1:
0x26: {  	v17 =	vadd.f32 v17, v22;
	v22 =	vsel vm9, $0x3F800000, v0;
	v18 =	vadd.f32 v18, v23  }
0x27: {  	v19 =	vadd.f32 v19, v20;
	v20 =	vadd.f32 v22, v21  }
0x28: {  	v21 =	vsel vm7, $0x3F800000, v0;
	v13 =	vadd.f32 v13, v17  }
0x29: {  	v17 =	vsel vm12, $0x3F800000, v0;
	v14 =	vadd.f32 v14, v18;
	v16 =	vadd.f32 v16, v20  }
0x2a: {  	v15 =	vadd.f32 v15, v19;
	v18 =	vsel vm11, $0x3F800000, v0;
	v6 =	vadd.f32 v17, v6  }
0x2b: {  	v19 =	vadd.f32 v9, v13;
	v25 =	vadd.f32 v10, v16;
	v10 =	vsel vm8, $0x3F800000, v0  }
0x2c: {  	v9 =	vsel vm10, $0x3F800000, v0;
	v20 =	vadd.f32 v11, v14;
	v3 =	vadd.f32 v10, v3  }
0x2d: {  	v4 =	vadd.f32 v9, v4;
	v6 =	vadd.f32 v21, v6;
	v11 =	vsel vm5, $0x3F800000, v0  }
0x2e: {  	v5 =	vadd.f32 v18, v5;
	v9 =	vsel vm6, $0x3F800000, v0;
	v3 =	vadd.f32 v11, v3  }
0x2f: {  	v4 =	vadd.f32 v9, v4;
	v9 =	vld [tilespmem:$0x1FFF0];
	v6 =	vadd.f32 v7, v6;
	v7 =	vsel vm15, $0x3F800000, v0  }
0x30: {  	s6 =	sshra.s32 s5, $0x2;
	v22 =	vsel vm4, $0x3F800000, v0;
	v3 =	vadd.f32 v7, v3;
	v7 =	vld [tilespmem:$0x1FFE0]  }
0x31: {  	v10 =	vld [tilespmem:s6+$0x30];
	v5 =	vadd.f32 v22, v5;
	_ =	sdelay $0x1  }
0x32: {  	v5 =	vadd.f32 v8, v5  }
0x33: {  	vm0 =	vnez.u8 v9  }
0x34: {  	v5 =	vadd.f32 v2, v5;
	v9 =	vsel vm0, $0x3F800000, v0;
	vm0 =	vnez.u8 v7  }
0x35: {  	v2 =	vimm.s32 $0x0;
	v7 =	vsel vm0, $0x3F800000, v0;
	vm0 =	veq.s32 v10, $0x0  }
0x36: {  	v2 =	vsel vm0, $0xFFFFFFFF, v2  }
0x37: {  	vm0 =	veq.s32 v10, $0x1;
	[tilespmem:$0x1FEF0] =	vst v2;
	v2 =	vimm.s32 $0x0  }
0x38: {  	v2 =	vsel vm0, $0xFFFFFFFF, v2  }
0x39: {  	vm0 =	veq.s32 v10, $0x2;
	[tilespmem:$0x1FF00] =	vst v2;
	v2 =	vimm.s32 $0x0  }
0x3a: {  	v2 =	vsel vm0, $0xFFFFFFFF, v2  }
0x3b: {  	vm0 =	veq.s32 v10, $0x3;
	[tilespmem:$0x1FF10] =	vst v2;
	v2 =	vimm.s32 $0x0  }
0x3c: {  	v2 =	vsel vm0, $0xFFFFFFFF, v2  }
0x3d: {  	v8 =	vld [tilespmem:s6+$0x20];
	vm0 =	veq.s32 v10, $0x4;
	[tilespmem:$0x1FF20] =	vst v2;
	v2 =	vimm.s32 $0x0  }
0x3e: {  	v2 =	vsel vm0, $0xFFFFFFFF, v2  }
0x3f: {  	v4 =	vadd.f32 v9, v4;
	vm0 =	veq.s32 v10, $0x5;
	[tilespmem:$0x1FF30] =	vst v2;
	v2 =	vimm.s32 $0x0  }
0x40: {  	v2 =	vsel vm0, $0xFFFFFFFF, v2  }
0x41: {  	v4 =	vadd.f32 v7, v4;
	vm0 =	veq.s32 v10, $0x6;
	[tilespmem:$0x1FF60] =	vst v2;
	v2 =	vimm.s32 $0x0  }
0x42: {  	v7 =	vimm.s32 $0x0;
	v2 =	vsel vm0, $0xFFFFFFFF, v2;
	vm0 =	veq.s32 v8, $0x0  }
0x43: {  	v7 =	vsel vm0, $0xFFFFFFFF, v7  }
0x44: {  	vm0 =	veq.s32 v8, $0x1;
	[tilespmem:$0x1FF40] =	vst v7;
	v7 =	vimm.s32 $0x0  }
0x45: {  	v7 =	vsel vm0, $0xFFFFFFFF, v7  }
0x46: {  	vm0 =	veq.s32 v10, $0x7;
	[tilespmem:$0x1FF50] =	vst v7;
	v7 =	vimm.s32 $0x0  }
0x47: {  	v7 =	vsel vm0, $0xFFFFFFFF, v7  }
0x48: {  	vm0 =	veq.s32 v8, $0x2;
	[tilespmem:$0x1FFC0] =	vst v7;
	v7 =	vimm.s32 $0x0  }
0x49: {  	v6 =	vadd.f32 v1, v6;
	v1 =	vsel vm14, $0x3F800000, v0;
	v7 =	vsel vm0, $0xFFFFFFFF, v7  }
0x4a: {  	v3 =	vadd.f32 v1, v3;
	v1 =	vld [tilespmem:s6+$0x10];
	vm0 =	veq.s32 v8, $0x3;
	[tilespmem:$0x1FF70] =	vst v7;
	v7 =	vimm.s32 $0x0  }
0x4b: {  	v7 =	vsel vm0, $0xFFFFFFFF, v7  }
0x4c: {  	vm0 =	veq.s32 v8, $0x4;
	[tilespmem:$0x1FF80] =	vst v7;
	v7 =	vimm.s32 $0x0  }
0x4d: {  	v7 =	vsel vm0, $0xFFFFFFFF, v7  }
0x4e: {  	vm0 =	veq.s32 v8, $0x5;
	[tilespmem:$0x1FF90] =	vst v7;
	v7 =	vimm.s32 $0x0  }
0x4f: {  	vm1 =	veq.s32 v1, $0x1;
	vm2 =	veq.s32 v1, $0x2;
	v7 =	vsel vm0, $0xFFFFFFFF, v7  }
0x50: {  	vm9 =	veq.s32 v1, $0x3;
	vm0 =	veq.s32 v8, $0x6;
	[tilespmem:$0x1FFA0] =	vst v7;
	v7 =	vimm.s32 $0x0  }
0x51: {  	vm7 =	veq.s32 v1, $0x4;
	vm4 =	veq.s32 v1, $0x5;
	v7 =	vsel vm0, $0xFFFFFFFF, v7  }
0x52: {  	vm6 =	veq.s32 v1, $0x6;
	vm0 =	veq.s32 v8, $0x7;
	[tilespmem:$0x1FFF0] =	vst v7;
	v7 =	vimm.s32 $0x0  }
0x53: {  	vm5 =	veq.s32 v1, $0x7;
	v7 =	vsel vm0, $0xFFFFFFFF, v7;
	vm0 =	veq.s32 v1, $0x0;
	v1 =	vld [tilespmem:$0x1FEF0];
	_ =	sdelay $0x4  }
0x54: {  	vm13 =	vnez.u8 v1;
	v1 =	vld [tilespmem:$0x1FF00];
	_ =	sdelay $0x4  }
0x55: {  	v9 =	vsel vm13, $0x3F800000, v0;
	vm13 =	vnez.u8 v1;
	v1 =	vld [tilespmem:$0x1FF10];
	_ =	sdelay $0x2  }
0x56: {  	[tilespmem:$0x1FFE0] =	vst v2;
	v2 =	vld [tilespmem:s6+$0x0];
	_ =	sdelay $0x1  }
0x57: {  	v11 =	vsel vm13, $0x3F800000, v0;
	vm13 =	vnez.u8 v1;
	v1 =	vld [tilespmem:$0x1FF20];
	_ =	sdelay $0x1  }
0x58: {  	v24 =	vadd.f32 v12, v15  }
0x59: {  	vm3 =	veq.s32 v2, $0x0;
	vm15 =	veq.s32 v2, $0x1;
	vm14 =	veq.s32 v2, $0x2  }
0x5a: {  	vm12 =	veq.s32 v2, $0x4;
	vm11 =	veq.s32 v2, $0x5;
	vm10 =	veq.s32 v2, $0x6  }
0x5b: {  	[tilespmem:$0x1FFB0] =	vst v7;
	v7 =	vimm.s32 $0x0;
	v12 =	vsel vm13, $0x3F800000, v0;
	vm13 =	vnez.u8 v1;
	v1 =	vld [tilespmem:$0x1FF30]  }
0x5c: {  	vm8 =	veq.s32 v2, $0x7;
	v7 =	vsel vm2, $0xFFFFFFFF, v7;
	vm2 =	veq.s32 v2, $0x3;
	v2 =	vld [tilespmem:$0x1FF40];
	_ =	sdelay $0x3  }
0x5d: {  	v10 =	vsel vm13, $0x3F800000, v0;
	vm13 =	vnez.u8 v1  }
0x5e: {  	v1 =	vsel vm13, $0x3F800000, v0;
	vm13 =	vnez.u8 v2;
	v2 =	vld [tilespmem:$0x1FF50];
	_ =	sdelay $0x3  }
0x5f: {  	v22 =	vld [tilespmem:$0x1FFB0]  }
0x60: {  	v13 =	vsel vm13, $0x3F800000, v0;
	vm13 =	vnez.u8 v2;
	v2 =	vld [tilespmem:$0x1FF60]  }
0x61: {  	[tilespmem:$0x1FFD0] =	vst v7;
	v7 =	vld [tilespmem:$0x1FF70];
	_ =	sdelay $0x2  }
0x62: {  	v23 =	vsel vm15, $0x3F800000, v0;
	vm15 =	vnez.u8 v22;
	v22 =	vld [tilespmem:$0x1FFC0]  }
0x63: {  	v14 =	vsel vm13, $0x3F800000, v0;
	vm13 =	vnez.u8 v2  }
0x64: {  	v2 =	vsel vm13, $0x3F800000, v0;
	vm13 =	vnez.u8 v7;
	v7 =	vld [tilespmem:$0x1FF80];
	_ =	sdelay $0x1  }
0x65: {  	v21 =	vsel vm3, $0x3F800000, v0;
	v26 =	vsel vm14, $0x3F800000, v0  }
0x66: {  	v8 =	vld [tilespmem:$0x1FFA0];
	vm14 =	vnez.u8 v22;
	v22 =	vadd.f32 v21, v19;
	v19 =	vsel vm2, $0x3F800000, v0  }
0x67: {  	v21 =	vadd.f32 v19, v25;
	v19 =	vld [tilespmem:$0x1FFD0]  }
0x68: {  	v15 =	vsel vm13, $0x3F800000, v0;
	vm13 =	vnez.u8 v7;
	v7 =	vld [tilespmem:$0x1FF90]  }
0x69: {  	p0 =	sne.s32 s5, $0x3F00  }
.Ltmp0:
0x6a: {  	_ = 	snop;
	(pc) =	sbr.rel @p0 .LBB2_1-.Ltmp0, $4  }
0x6b: {  	v17 =	vsel vm0, $0x3F800000, v0;
	vm0 =	vnez.u8 v8  }
0x6c: {  	v18 =	vsel vm1, $0x3F800000, v0;
	v23 =	vadd.f32 v23, v20;
	v8 =	vsel vm0, $0x3F800000, v0  }
0x6d: {  	vm0 =	vnez.u8 v19;
	v16 =	vsel vm13, $0x3F800000, v0;
	vm13 =	vnez.u8 v7  }
0x6e: {  	s5 =	sadd.s32 $0x100, s5;
	v20 =	vadd.f32 v26, v24;
	v19 =	vsel vm0, $0x3F800000, v0;
	v7 =	vsel vm13, $0x3F800000, v0  }
0x6f: {  	v17 =	vadd.f32 v17, v22;
	v18 =	vadd.f32 v18, v23  }
0x70: {  	v37 =	vsel vm9, $0x3F800000, v0;
	v41 =	vsel vm12, $0x3F800000, v0;
	v42 =	vsel vm11, $0x3F800000, v0  }
0x71: {  	v43 =	vsel vm10, $0x3F800000, v0;
	v19 =	vadd.f32 v19, v20;
	v38 =	vadd.f32 v37, v21  }
0x72: {  	v44 =	vsel vm8, $0x3F800000, v0;
	v6 =	vadd.f32 v41, v6;
	v5 =	vadd.f32 v42, v5  }
0x73: {  	v4 =	vadd.f32 v43, v4;
	v3 =	vadd.f32 v44, v3  }
0x74: {  	v39 =	vsel vm7, $0x3F800000, v0;
	v47 =	vld [tilespmem:$0x1FFF0];
	v13 =	vadd.f32 v13, v17;
	v14 =	vadd.f32 v14, v18  }
0x75: {  	v40 =	vsel vm4, $0x3F800000, v0;
	v15 =	vadd.f32 v15, v19;
	v16 =	vadd.f32 v16, v38  }
0x76: {  	v45 =	vsel vm6, $0x3F800000, v0;
	v49 =	vld [tilespmem:$0x1FFE0];
	v6 =	vadd.f32 v39, v6;
	v5 =	vadd.f32 v40, v5  }
0x77: {  	v46 =	vsel vm5, $0x3F800000, v0;
	v4 =	vadd.f32 v45, v4;
	v9 =	vadd.f32 v9, v13  }
0x78: {  	v48 =	vsel vm15, $0x3F800000, v0;
	v3 =	vadd.f32 v46, v3;
	v11 =	vadd.f32 v11, v14  }
0x79: {  	v12 =	vadd.f32 v12, v15;
	v6 =	vadd.f32 v7, v6;
	vm0 =	vnez.u8 v47;
	(xrf2) =	vadd.scan.msk.f32 $0xffff, v9  }
0x7a: {  	v10 =	vadd.f32 v10, v16;
	v5 =	vadd.f32 v8, v5;
	v7 =	vsel vm0, $0x3F800000, v0;
	(xrf2) =	vadd.scan.msk.f32 $0xffff, v11  }
0x7b: {  	vm7 =	vnez.u8 v49;
	v4 =	vadd.f32 v7, v4;
	v1 =	vadd.f32 v1, v6;
	(xrf2) =	vadd.scan.msk.f32 $0xffff, v12  }
0x7c: {  	v3 =	vadd.f32 v48, v3;
	v6 =	vsel vm7, $0x3F800000, v0;
	v2 =	vadd.f32 v2, v5;
	(xrf2) =	vadd.scan.msk.f32 $0xffff, v10  }
0x7d: {  	v50 =	vsel vm14, $0x3F800000, v0;
	v4 =	vadd.f32 v6, v4;
	(xrf2) =	vadd.scan.msk.f32 $0xffff, v1  }
0x7e: {  	v0 =	vadd.f32 v50, v3;
	(xrf2) =	vadd.scan.msk.f32 $0xffff, v2  }
0x7f: {  	(xrf2) =	vadd.scan.msk.f32 $0xffff, v4  }
0x80: {  	(xrf2) =	vadd.scan.msk.f32 $0xffff, v0;
	_ =	sdelay $0x2  }
0x81: {  	v51, _, _ =	vpop (xrf2)  }
0x82: {  	v52, _, _ =	vpop (xrf2);
	v0 =	vbroadcast v51, $0xF  }
0x83: {  	vm8 =	vmmov $0x1;
	v53, _, _ =	vpop (xrf2);
	v1 =	vbroadcast v52, $0xF  }
0x84: {  	vm9 =	vcmask $0x320;
	v54, _, _ =	vpop (xrf2);
	v0 =	vnsel vm8, $0x0, v0;
	v2 =	vbroadcast v53, $0xF  }
0x85: {  	vm10 =	vcmask $0x720;
	v55, _, _ =	vpop (xrf2);
	v0 =	vsel vm9, v0, v1;
	v56 =	vbroadcast v54, $0xF  }
0x86: {  	vm11 =	vcmask $0xB20;
	v57, _, _ =	vpop (xrf2);
	v0 =	vsel vm10, v0, v2;
	v58 =	vbroadcast v55, $0xF  }
0x87: {  	vm12 =	vcmask $0xF20;
	v59, _, _ =	vpop (xrf2);
	v0 =	vsel vm11, v0, v56;
	v60 =	vbroadcast v57, $0xF  }
0x88: {  	vm13 =	vcmask $0x1320;
	v0 =	vsel vm12, v0, v58;
	v61 =	vbroadcast v59, $0xF;
	v62, _, _ =	vpop (xrf2)  }
0x89: {  	vm14 =	vcmask $0x1720;
	v0 =	vsel vm13, v0, v60;
	v63 =	vbroadcast v62, $0xF  }
0x8a: {  	vm15 =	vcmask $0x1B20;
	v0 =	vsel vm14, v0, v61  }
0x8b: {  	s5 =	sshll.u32 s4, $0x4;
	v0 =	vsel vm15, v0, v63  }
0x8c: {  	s6 =	simm.s32 $0x1000;
	s5 =	sadd.s32 s5, s3;
	[tilespmem:$0x1000] =	vst v0  }
0x8d: {  	[spmem:s5] =	stream.linear.scatter [tilespmem:s6], [sflag:$0x1], $0x10, $0x38;
	[tilespmem:$0x1190] =	vst v63  }
0x8e: {  	s5 =	simm.s32 $0x1  }
0x8f: {  	_ =	swait.ge [sflag:s5], $0x10  }
0x90: {  	[sflag:s5] =	ssyncset.done $0x0  }
0x91: {  	[sflag:s5] =	ssyncadd.s32 $0xFFFFFFF0  }
0x92: {  	p0 =	sne.s32 s4, $0x0;
	[bflag:$0x0] =	sbarrier.arrive $0xFFFF  }
0x93: {  	_ =	sfence.sel @p0 $0x180000  }
0x94: {  	[bflag:$0x0] =	sbarrier.arrive @p0 $0xFFFF  }
0x95: {  	_ =	strace @p0 $0x90000047  }
0x96: {  	[bflag:$0x2] =	sbarrier.arrive @p0 $0xFFFF  }
0x97: {  	_ =	shalt @p0  }
.LBB2_3:
0x98: {  	s4 =	simm.s32 $0x1090  }
0x99: {  	[tilespmem:s4], [sflag:$0x1] =	stream.linear.gather [spmem:s3], $0x100, $0x38;
	[tilespmem:$0x1190] =	vst v63  }
0x9a: {  	_ =	swait.ge [sflag:s5], $0x100  }
0x9b: {  	[sflag:s5] =	ssyncset.done $0x0  }
0x9c: {  	[sflag:s5] =	ssyncadd.s32 $0xFFFFFF00  }
0x9d: {  	v0 =	vld [tilespmem:$0x1090]  }
0x9e: {  	v1 =	vld [tilespmem:$0x10A0];
	_ =	sdelay $0x1  }
0x9f: {  	v2 =	vld [tilespmem:$0x10B0];
	_ =	sdelay $0x1  }
0xa0: {  	v3 =	vld [tilespmem:$0x10C0]  }
0xa1: {  	v0 =	vadd.f32 v1, v0  }
0xa2: {  	v44 =	vld [tilespmem:$0x10D0]  }
0xa3: {  	v0 =	vadd.f32 v2, v0  }
0xa4: {  	v45 =	vld [tilespmem:$0x10E0]  }
0xa5: {  	v0 =	vadd.f32 v3, v0  }
0xa6: {  	v46 =	vld [tilespmem:$0x10F0]  }
0xa7: {  	v0 =	vadd.f32 v44, v0  }
0xa8: {  	v47 =	vld [tilespmem:$0x1100]  }
0xa9: {  	v0 =	vadd.f32 v45, v0  }
0xaa: {  	v48 =	vld [tilespmem:$0x1110]  }
0xab: {  	v0 =	vadd.f32 v46, v0  }
0xac: {  	v49 =	vld [tilespmem:$0x1120]  }
0xad: {  	v0 =	vadd.f32 v47, v0  }
0xae: {  	v50 =	vld [tilespmem:$0x1130]  }
0xaf: {  	v0 =	vadd.f32 v48, v0  }
0xb0: {  	v51 =	vld [tilespmem:$0x1140]  }
0xb1: {  	v0 =	vadd.f32 v49, v0  }
0xb2: {  	v52 =	vld [tilespmem:$0x1150]  }
0xb3: {  	v0 =	vadd.f32 v50, v0  }
0xb4: {  	v53 =	vld [tilespmem:$0x1160]  }
0xb5: {  	v0 =	vadd.f32 v51, v0  }
0xb6: {  	v54 =	vld [tilespmem:$0x1170]  }
0xb7: {  	v0 =	vadd.f32 v52, v0  }
0xb8: {  	v55 =	vld [tilespmem:$0x1180]  }
0xb9: {  	v0 =	vadd.f32 v53, v0;
	_ =	sdelay $0x1  }
0xba: {  	v0 =	vadd.f32 v54, v0;
	_ =	sdelay $0x1  }
0xbb: {  	v0 =	vadd.f32 v55, v0;
	_ =	sdelay $0x1  }
0xbc: {  	(xrf2) =	vadd.scan.msk.f32 $0xffff, v0;
	_ =	sdelay $0x9  }
0xbd: {  	v56, _, _ =	vpop (xrf2)  }
0xbe: {  	vm0 =	vmmov $0xff;
	(v2sf) =	vpush v56, $0xF  }
0xbf: {  	v58 =	vlaneseq.u32;
	v57 =	vnsel vm0, $0x7149F2CA, v0  }
0xc0: {  	(xrf1) =	vsort.ascd.msk.f32 $0xffff, v57, v58;
	_ =	sdelay $0x5  }
0xc1: {  	v59 =	vimm.f32 $0.0e+00;
	vm8 =	vcmask $0x300  }
0xc2: {  	vm9 =	vcmask $0x704;
	v1 =	vsel vm8, $0xC0E00000, v59  }
0xc3: {  	vm10 =	vcmask $0xB08;
	v1 =	vsel vm9, $0xC0A00000, v1  }
0xc4: {  	vm11 =	vcmask $0xF0C;
	v1 =	vsel vm10, $0xC0400000, v1  }
0xc5: {  	vm12 =	vcmask $0x1310;
	v1 =	vsel vm11, $0xBF800000, v1  }
0xc6: {  	vm13 =	vcmask $0x1714;
	v1 =	vsel vm12, $0x3F800000, v1  }
0xc7: {  	vm14 =	vcmask $0x1B18;
	v1 =	vsel vm13, $0x40400000, v1  }
0xc8: {  	vm15 =	vcmask $0x1F1C;
	v1 =	vsel vm14, $0x40A00000, v1;
	s30 =	spop (v2sf)  }
0xc9: {  	v1 =	vsel vm15, $0x40E00000, v1;
	v2, _, _ =	vpop (xrf1);
	s3 =	smul.f32 $8.000000000e+00, s30  }
0xca: {  	v1 =	vmul.f32 v1, v2  }
0xcb: {  	s3 =	sadd.f32 $1.000000010e-10, s3  }
0xcc: {  	(xrf2) =	vadd.scan.msk.f32 $0xffff, v1  }
0xcd: {  	v60 =	vmov s3  }
0xce: {  	(erf) = vrcp.f32 v60;
	_ =	sdelay $0x7  }
0xcf: {  	s31 =	simm.s32 $0x0;
	[tilespmem:$0x1000] =	vst v0;
	v61, _, _ =	vpop (xrf2)  }
0xd0: {  	[hbm4b:s2+s31] =	stream.linear.scatter [tilespmem:s6], [sflag:$0x1], $0x80, $0x38;
	v62 =	vbroadcast v61, $0xF;
	v63 =	vpop (erf);
	[tilespmem:$0x1190] =	vst v63  }
0xd1: {  	_ =	swait.ge [sflag:s5], $0x80  }
0xd2: {  	v0 =	vmul.f32 v63, v62;
	[sflag:s5] =	ssyncset.done $0x0  }
0xd3: {  	[sflag:s5] =	ssyncadd.s32 $0xFFFFFF80  }
0xd4: {  	[tilespmem:$0x1000] =	vst v0  }
0xd5: {  	[hbm4b:s1+s31] =	stream.linear.scatter [tilespmem:s6], [sflag:$0x1], $0x80, $0x38;
	[tilespmem:$0x1190] =	vst v63  }
0xd6: {  	_ =	swait.ge [sflag:s5], $0x80  }
0xd7: {  	[sflag:s5] =	ssyncset.done $0x0  }
0xd8: {  	[sflag:s5] =	ssyncadd.s32 $0xFFFFFF80  }
0xd9: {  	_ =	sfence.sel $0x180000  }
0xda: {  	[bflag:$0x0] =	sbarrier.arrive $0xFFFF  }
0xdb: {  	_ =	strace $0x90000047  }
0xdc: {  	s0 =	sadd.s32 $0x100000, s0;
	[bflag:$0x2] =	sbarrier.arrive $0xFFFF  }
0xdd: {  	[sflag:s0] =	ssyncadd.tile.s32 $0x1;
	_ =	shalt  }
.Lfunc_end2:
_tile_overlayer_lowered:
.L_overlay_start_2:
0xde: {  	(tag) =	ssettag $0x2  }
0xdf: {  	s0 =	rddreg [dreg:$0x0];
	s2 =	stileid.u32  }
0xe0: {  	s1 =	rddreg [dreg:$0x1];
	p0 =	sne.s32 s2, $0x0  }
0xe1: {  	s3 =	rddreg [dreg:$0x2];
	[bflag:$0x3] =	sbarrier.arrive $0xFFFF;
	s2 =	simm.s32 @!p0 $0x1C01  }
0xe2: {  	[timem:s3], [sflag:s2] =	dma.local @!p0 [hbm:s0], s1  }
0xe3: {  	s0 =	simm.s32 @!p0 $0x1  }
0xe4: {  	_ =	swait.ge @!p0 [sflag:s0], s1  }
0xe5: {  	s1 =	ssub.s32 @!p0 $0x0, s1;
	[sflag:s0] =	ssyncset.done @!p0 $0x0  }
0xe6: {  	[sflag:s0] =	ssyncadd.s32 @!p0 s1  }
0xe7: {  	[bflag:$0x3] =	sbarrier.arrive $0xFFFF  }
0xe8: {  	_ =	shalt  }

</sc_bundles>
